<compile_context>
chip_gen: v7x
topology: tpu7x:2x2x1
jax: 0.10.2.dev20260603
libtpu: 0.0.44.dev20260713+nightly
codegen_flags: <defaults>
</compile_context>

<pallas_src>
import functools

import jax
import jax.numpy as jnp
from jax import lax
from jax.experimental import pallas as pl
from jax.experimental.pallas import tpu as pltpu
from jax.experimental.pallas import tpu_sc as plsc

_SMOOTH = 1e-05
_SENT = 0x7FFFFFFF
_N = 262144
_Q = _N // 4
_NV = _Q // 16


def _prep_kernel(logits_ref, target_ref, eps_ref, bits_ref, p_ref, nfg_ref):
    l = logits_ref[0]
    d = l[1] - l[0]
    p = 1.0 / (1.0 + jnp.exp(-d))
    fg = target_ref[0] == 1
    tp = p * (jnp.where(fg, 1.0, 0.0) + eps_ref[0])
    bits = lax.bitcast_convert_type(tp, jnp.int32)
    bits_ref[0] = jnp.where(fg, bits, jnp.int32(_SENT))
    p_ref[0] = p
    nfg_ref[0] = jnp.full((8, 128), jnp.sum(fg.astype(jnp.int32)),
                          dtype=jnp.int32)


def _dice_kernel(bits_ref, p_ref, thr_ref, out_ref):
    bits = bits_ref[0]
    p = p_ref[0]
    thr = thr_ref[0, 0, 0]
    fg = bits != jnp.int32(_SENT)
    kept = fg & (bits <= thr)
    ign = fg & (bits > thr)
    inter = jnp.sum(jnp.where(kept, p, 0.0))
    p2 = p * p
    ssp = jnp.sum(p2) - jnp.sum(jnp.where(ign, p2, 0.0))
    sst = jnp.sum(jnp.where(kept, 1.0, 0.0))
    dice = (2.0 * inter + _SMOOTH) / (ssp + sst + _SMOOTH)
    out_ref[0] = jnp.full((8, 128), dice, dtype=jnp.float32)


_sc_mesh = plsc.VectorSubcoreMesh(core_axis_name="c", subcore_axis_name="s")


@functools.partial(
    pl.kernel,
    mesh=_sc_mesh,
    compiler_params=pltpu.CompilerParams(needs_layout_passes=False),
    out_type=[
        jax.ShapeDtypeStruct((16 * 16,), jnp.int32),
        jax.ShapeDtypeStruct((64, 16), jnp.int32),
    ],
    scratch_types=[
        pltpu.VMEM((_Q + 16,), jnp.int32),
        pltpu.VMEM((16,), jnp.int32),
        pltpu.VMEM((4, 16), jnp.int32),
    ],
)
def _select_kernel(bits_hbm, nfg_hbm, thr_hbm, cx_hbm, keys, mine, part):
    c = lax.axis_index("c")
    s = lax.axis_index("s")
    quarter = s % 4
    g4 = (s // 4) * 4
    zero = jnp.zeros((16,), jnp.int32)

    def merged(cnt_vec, slot):
        mine[...] = cnt_vec
        pltpu.sync_copy(mine, cx_hbm.at[slot * 32 + c * 16 + s])
        plsc.subcore_barrier()
        pltpu.sync_copy(cx_hbm.at[pl.ds(slot * 32 + c * 16 + g4, 4)], part)
        return part[0] + part[1] + part[2] + part[3]

    def count_lt(cand_vec):
        @plsc.parallel_loop(0, _NV, unroll=8, carry=zero)
        def acc(i, a):
            x = keys[pl.ds(i * 16, 16)]
            return a + jnp.where(x < cand_vec, 1, 0)
        return jnp.broadcast_to(jnp.sum(acc), (16,))

    def count_lt_dyn(cand_vec, ntrip):
        def body(i, acc):
            x = keys[pl.ds(i * 16, 16)]
            return acc + jnp.where(x < cand_vec, 1, 0)
        acc = lax.fori_loop(0, ntrip, body, zero)
        return jnp.broadcast_to(jnp.sum(acc), (16,))

    for ph in range(2):
        sample = ph * 8 + c * 4 + s // 4
        base = sample * _N + quarter * _Q
        pltpu.sync_copy(bits_hbm.at[pl.ds(base, _Q)], keys.at[pl.ds(0, _Q)])
        pltpu.sync_copy(nfg_hbm.at[pl.ds(sample * 1024, 16)], mine)
        n_fg = mine[...]
        k = jnp.maximum(1, n_fg >> 1)

        def l1_iter(i, carry):
            res, below = carry
            cand = res | (jnp.int32(1) << (jnp.int32(29) - i))
            tot = merged(count_lt(cand), i % 2)
            take = tot <= k - 1
            return jnp.where(take, cand, res), jnp.where(take, tot, below)

        res, below = lax.fori_loop(0, 15, l1_iter, (zero, zero))
        kk = k - below

        lo = res
        hi = res + jnp.int32(1 << 15)

        def c_iter(i, off):
            o = off
            for j in range(4):
                x = keys[pl.ds((i * 4 + j) * 16, 16)]
                m = (x >= lo) & (x < hi)
                plsc.store_compressed(keys.at[pl.ds(o, 16)], x, mask=m)
                o = o + plsc.all_reduce_population_count(m)[0]
            return o

        off = lax.fori_loop(0, _NV // 4, c_iter, jnp.int32(0))
        plsc.store_scatter(keys, [off + lax.iota(jnp.int32, 16)],
                           jnp.full((16,), _SENT, jnp.int32))
        ntrip = (off + 15) // 16

        def l2_iter(i, res):
            cand = res | (jnp.int32(1) << (jnp.int32(14) - i))
            tot = merged(count_lt_dyn(cand, ntrip), (i + 1) % 2)
            return jnp.where(tot <= kk - 1, cand, res)

        res = lax.fori_loop(0, 15, l2_iter, res)

        mine[...] = res

        @pl.when(quarter == 0)
        def _():
            pltpu.sync_copy(mine, thr_hbm.at[pl.ds(sample * 16, 16)])


_EPS_CACHE = {}


def _eps(B):
    if B not in _EPS_CACHE:
        eps_key = jax.random.fold_in(jax.random.key(1), 7)
        _EPS_CACHE[B] = (
            jax.random.uniform(eps_key, (B, 262144), dtype=jnp.float32) * 1e-06
        ).reshape(B, 2048, 128)
    return _EPS_CACHE[B]


@jax.jit
def kernel(logits, target):
    B = logits.shape[0]
    lg = logits.reshape(B, 2, 2048, 128)
    tg = target.reshape(B, 2048, 128)
    eps = _eps(B)
    bits, p, nfg = pl.pallas_call(
        _prep_kernel,
        grid=(B,),
        in_specs=[
            pl.BlockSpec((1, 2, 2048, 128), lambda i: (i, 0, 0, 0)),
            pl.BlockSpec((1, 2048, 128), lambda i: (i, 0, 0)),
            pl.BlockSpec((1, 2048, 128), lambda i: (i, 0, 0)),
        ],
        out_specs=[
            pl.BlockSpec((1, 2048, 128), lambda i: (i, 0, 0)),
            pl.BlockSpec((1, 2048, 128), lambda i: (i, 0, 0)),
            pl.BlockSpec((1, 8, 128), lambda i: (i, 0, 0)),
        ],
        out_shape=[
            jax.ShapeDtypeStruct((B, 2048, 128), jnp.int32),
            jax.ShapeDtypeStruct((B, 2048, 128), jnp.float32),
            jax.ShapeDtypeStruct((B, 8, 128), jnp.int32),
        ],
    )(lg, tg, eps)

    thr, _ = _select_kernel(bits.reshape(B * _N), nfg.reshape(B * 1024))

    dice = pl.pallas_call(
        _dice_kernel,
        grid=(B,),
        in_specs=[
            pl.BlockSpec((1, 2048, 128), lambda i: (i, 0, 0)),
            pl.BlockSpec((1, 2048, 128), lambda i: (i, 0, 0)),
            pl.BlockSpec((1, 1, 16), lambda i: (i, 0, 0)),
        ],
        out_specs=pl.BlockSpec((1, 8, 128), lambda i: (i, 0, 0)),
        out_shape=jax.ShapeDtypeStruct((B, 8, 128), jnp.float32),
    )(bits, p, thr.reshape(B, 1, 16))
    return 1.0 - jnp.mean(dice[:, 0, 0])

# --- scband reference (transcript-rebuilt; emitter-appended) ---
"""Pipeline reference for scband-top-kdice-loss-3556232921393 (READ-ONLY COPY).

The authoritative reference and input builder live on the scoring server;
editing this copy changes nothing except your own understanding.
"""

import jax, jax.numpy as jnp
import numpy as np

K_PCT = 50.0
SMOOTH = 1e-05


def _compute_mask(probs_flat, target_flat, epsilon):
    # Mirrors the torch.no_grad() block: per-sample kth-value threshold on the
    # foreground tp_map, then zero out the foreground pixels above the threshold.
    tp_map = probs_flat * (target_flat + epsilon)
    fg = target_flat == 1.0
    n_fg = fg.sum(axis=1)
    k_num = jnp.maximum(
        1, (n_fg.astype(jnp.float32) * (K_PCT / 100.0)).astype(jnp.int32)
    )
    fg_tp = jnp.where(fg, tp_map, jnp.inf)
    sorted_tp = jnp.sort(fg_tp, axis=1)
    # torch.kthvalue(x, k) == k-th smallest (1-indexed)
    thr = jnp.take_along_axis(sorted_tp, (k_num - 1)[:, None], axis=1)
    ignore = fg & (tp_map > thr)
    mask = jnp.where(ignore, 0.0, 1.0).astype(jnp.float32)
    return mask


def setup_inputs(seed: int = 0) -> dict:
    key = jax.random.key(seed)
    k1, k2 = jax.random.split(key)
    logits = jax.random.normal(k1, (16, 2, 512, 512), dtype=jnp.float32)
    target = jax.random.randint(k2, (16, 1, 512, 512), 0, 2, dtype=jnp.int32)
    return {"logits": logits, "target": target}


def reference(logits, target):
    logits = logits.astype(jnp.float32)
    target = target.astype(jnp.float32)
    probs = jax.nn.softmax(logits, axis=1)
    probs = probs[:, 1, ...]
    if target.ndim == 4 and target.shape[1] == 1:
        target = target[:, 0]
    B = probs.shape[0]
    probs_flat = probs.reshape(B, -1)
    target_flat = target.reshape(B, -1)
    # self._epsilon: torch.rand_like(probs_flat) * 1e-6 (fixed random noise)
    eps_key = jax.random.fold_in(jax.random.key(1), 7)
    epsilon = jax.random.uniform(eps_key, probs_flat.shape, dtype=jnp.float32) * 1e-06
    mask = _compute_mask(probs_flat, target_flat, epsilon)
    probs_k = probs_flat * mask
    target_k = target_flat * mask
    intersection = (probs_k * target_k).sum(axis=1)
    sum_sq_pred = (probs_k ** 2).sum(axis=1)
    sum_sq_target = (target_k ** 2).sum(axis=1)
    union = sum_sq_pred + sum_sq_target
    dice = (2.0 * intersection + SMOOTH) / (union + SMOOTH)
    return 1.0 - dice.mean()

if __name__ == "__main__":
    import jax
    _d = setup_inputs()
    print(jax.jit(kernel)(*tuple(_d.values())))

</pallas_src>

<mosaic_0001>
#map = affine_map<(d0, d1) -> (0)>
#map1 = affine_map<(d0, d1) -> (0, 0)>
module attributes {stable_mosaic.version = 14 : i64} {
  func.func @_select_kernel(%arg0: i32, %arg1: i32, %arg2: memref<4194304xi32, #tpu.memory_space<hbm>>, %arg3: memref<16384xi32, #tpu.memory_space<hbm>>, %arg4: memref<256xi32, #tpu.memory_space<hbm>>, %arg5: memref<64x16xi32, #tpu.memory_space<hbm>>, %arg6: memref<65552xi32, #tpu.memory_space<vmem>>, %arg7: memref<16xi32, #tpu.memory_space<vmem>>, %arg8: memref<4x16xi32, #tpu.memory_space<vmem>>) attributes {dimension_semantics = [#tpu.dimension_semantics<core_parallel>, #tpu.dimension_semantics<subcore_parallel>], iteration_bounds = array<i64: 2, 16>, scalar_prefetch = 0 : i64, scratch_operands = 3 : i64, tpu.core_type = #tpu.core_type<sc_vector_subcore>, window_params = [{transform_indices = #map}, {transform_indices = #map}, {transform_indices = #map}, {transform_indices = #map1}]} {
    %jit3A = arith.constant 4 : i32
    %eq3A = arith.constant 0 : i32
    %eq3A_0 = arith.cmpi eq, %jit3A, %eq3A : i32
    %jit3A_1 = arith.constant 1 : i32
    %select_n3A = arith.select %eq3A_0, %jit3A_1, %jit3A : i32
    %rem3A = arith.remsi %arg1, %select_n3A : i32
    %ne3A = arith.constant 0 : i32
    %ne3A_2 = arith.cmpi ne, %rem3A, %ne3A : i32
    %lt3A = arith.constant 0 : i32
    %lt3A_3 = arith.cmpi slt, %rem3A, %lt3A : i32
    %lt3A_4 = arith.constant 0 : i32
    %lt3A_5 = arith.cmpi slt, %select_n3A, %lt3A_4 : i32
    %ne3A_6 = arith.xori %lt3A_3, %lt3A_5 : i1
    %and3A = arith.andi %ne3A_6, %ne3A_2 : i1
    %add3A = arith.addi %rem3A, %select_n3A : i32
    %select_n3A_7 = arith.select %and3A, %add3A, %rem3A : i32
    %jit3A_8 = arith.constant 4 : i32
    %div3A = arith.divsi %arg1, %jit3A_8 : i32
    %sign3A = arith.constant 0 : i32
    %sign3A_9 = arith.cmpi sgt, %arg1, %sign3A : i32
    %sign3A_10 = arith.extui %sign3A_9 : i1 to i32
    %sign3A_11 = arith.constant 0 : i32
    %sign3A_12 = arith.cmpi slt, %arg1, %sign3A_11 : i32
    %sign3A_13 = arith.extui %sign3A_12 : i1 to i32
    %sign3A_14 = arith.subi %sign3A_10, %sign3A_13 : i32
    %sign3A_15 = arith.constant 0 : i32
    %sign3A_16 = arith.cmpi sgt, %jit3A_8, %sign3A_15 : i32
    %sign3A_17 = arith.extui %sign3A_16 : i1 to i32
    %sign3A_18 = arith.constant 0 : i32
    %sign3A_19 = arith.cmpi slt, %jit3A_8, %sign3A_18 : i32
    %sign3A_20 = arith.extui %sign3A_19 : i1 to i32
    %sign3A_21 = arith.subi %sign3A_17, %sign3A_20 : i32
    %ne3A_22 = arith.cmpi ne, %sign3A_14, %sign3A_21 : i32
    %rem3A_23 = arith.remsi %arg1, %jit3A_8 : i32
    %ne3A_24 = arith.constant 0 : i32
    %ne3A_25 = arith.cmpi ne, %rem3A_23, %ne3A_24 : i32
    %and3A_26 = arith.andi %ne3A_22, %ne3A_25 : i1
    %sub3A = arith.constant 1 : i32
    %sub3A_27 = arith.subi %div3A, %sub3A : i32
    %select_n3A_28 = arith.select %and3A_26, %sub3A_27, %div3A : i32
    %mul3A = arith.constant 4 : i32
    %mul3A_29 = arith.muli %select_n3A_28, %mul3A : i32
    %broadcast_in_dim3A = arith.constant 0 : i32
    %broadcast_in_dim3A_30 = vector.broadcast %broadcast_in_dim3A : i32 to vector<16xi32>
    %mul3A_31 = arith.constant 4 : i32
    %mul3A_32 = arith.muli %arg0, %mul3A_31 : i32
    %add3A_33 = arith.constant 0 : i32
    %add3A_34 = arith.addi %add3A_33, %mul3A_32 : i32
    %jit3A_35 = arith.constant 4 : i32
    %div3A_36 = arith.divsi %arg1, %jit3A_35 : i32
    %sign3A_37 = arith.constant 0 : i32
    %sign3A_38 = arith.cmpi sgt, %arg1, %sign3A_37 : i32
    %sign3A_39 = arith.extui %sign3A_38 : i1 to i32
    %sign3A_40 = arith.constant 0 : i32
    %sign3A_41 = arith.cmpi slt, %arg1, %sign3A_40 : i32
    %sign3A_42 = arith.extui %sign3A_41 : i1 to i32
    %sign3A_43 = arith.subi %sign3A_39, %sign3A_42 : i32
    %sign3A_44 = arith.constant 0 : i32
    %sign3A_45 = arith.cmpi sgt, %jit3A_35, %sign3A_44 : i32
    %sign3A_46 = arith.extui %sign3A_45 : i1 to i32
    %sign3A_47 = arith.constant 0 : i32
    %sign3A_48 = arith.cmpi slt, %jit3A_35, %sign3A_47 : i32
    %sign3A_49 = arith.extui %sign3A_48 : i1 to i32
    %sign3A_50 = arith.subi %sign3A_46, %sign3A_49 : i32
    %ne3A_51 = arith.cmpi ne, %sign3A_43, %sign3A_50 : i32
    %rem3A_52 = arith.remsi %arg1, %jit3A_35 : i32
    %ne3A_53 = arith.constant 0 : i32
    %ne3A_54 = arith.cmpi ne, %rem3A_52, %ne3A_53 : i32
    %and3A_55 = arith.andi %ne3A_51, %ne3A_54 : i1
    %sub3A_56 = arith.constant 1 : i32
    %sub3A_57 = arith.subi %div3A_36, %sub3A_56 : i32
    %select_n3A_58 = arith.select %and3A_55, %sub3A_57, %div3A_36 : i32
    %add3A_59 = arith.addi %add3A_34, %select_n3A_58 : i32
    %mul3A_60 = arith.constant 262144 : i32
    %mul3A_61 = arith.muli %add3A_59, %mul3A_60 : i32
    %mul3A_62 = arith.constant 65536 : i32
    %mul3A_63 = arith.muli %select_n3A_7, %mul3A_62 : i32
    %add3A_64 = arith.addi %mul3A_61, %mul3A_63 : i32
    "tpu.region"() ({
      %run_scoped3A = tpu.sem_alloc : memref<!tpu.dma_semaphore, #tpu.memory_space<semaphore_mem>>
      %dma_start3A = arith.constant 0 : i32
      %dma_start3A_233 = tpu.memref_slice %arg6[%dma_start3A] : memref<65552xi32, #tpu.memory_space<vmem>> -> memref<65536xi32, #tpu.memory_space<vmem>>
      %dma_start3A_234 = tpu.memref_slice %arg2[%add3A_64] : memref<4194304xi32, #tpu.memory_space<hbm>> -> memref<65536xi32, #tpu.memory_space<hbm>>
      %dma_start3A_235 = arith.constant 0 : i32
      %dma_start3A_236 = tpu.memref_slice %arg6[%dma_start3A_235] : memref<65552xi32, #tpu.memory_space<vmem>> -> memref<65536xi32, #tpu.memory_space<vmem>>
      %dma_start3A_237 = tpu.memref_slice %arg2[%add3A_64] : memref<4194304xi32, #tpu.memory_space<hbm>> -> memref<65536xi32, #tpu.memory_space<hbm>>
      tpu.enqueue_dma source(%dma_start3A_237 : memref<65536xi32, #tpu.memory_space<hbm>>) target(%dma_start3A_236 : memref<65536xi32, #tpu.memory_space<vmem>>) target_semaphore(%run_scoped3A : memref<!tpu.dma_semaphore, #tpu.memory_space<semaphore_mem>>)
      %dma_wait3A = arith.constant 0 : i32
      %dma_wait3A_238 = tpu.memref_slice %arg6[%dma_wait3A] : memref<65552xi32, #tpu.memory_space<vmem>> -> memref<65536xi32, #tpu.memory_space<vmem>>
      %dma_wait3A_239 = tpu.memref_slice %arg2[%add3A_64] : memref<4194304xi32, #tpu.memory_space<hbm>> -> memref<65536xi32, #tpu.memory_space<hbm>>
      %dma_wait3A_240 = arith.constant 0 : i32
      %dma_wait3A_241 = tpu.memref_slice %arg6[%dma_wait3A_240] : memref<65552xi32, #tpu.memory_space<vmem>> -> memref<65536xi32, #tpu.memory_space<vmem>>
      %dma_wait3A_242 = tpu.memref_slice %arg2[%add3A_64] : memref<4194304xi32, #tpu.memory_space<hbm>> -> memref<65536xi32, #tpu.memory_space<hbm>>
      tpu.wait_dma2 semaphore(%run_scoped3A : memref<!tpu.dma_semaphore, #tpu.memory_space<semaphore_mem>>) src(%dma_wait3A_242 : memref<65536xi32, #tpu.memory_space<hbm>>) dst(%dma_wait3A_241 : memref<65536xi32, #tpu.memory_space<vmem>>)
      tpu.yield
    }) : () -> ()
    %mul3A_65 = arith.constant 1024 : i32
    %mul3A_66 = arith.muli %add3A_59, %mul3A_65 : i32
    "tpu.region"() ({
      %run_scoped3A = tpu.sem_alloc : memref<!tpu.dma_semaphore, #tpu.memory_space<semaphore_mem>>
      %dma_start3A = tpu.memref_slice %arg3[%mul3A_66] : memref<16384xi32, #tpu.memory_space<hbm>> -> memref<16xi32, #tpu.memory_space<hbm>>
      %dma_start3A_233 = tpu.memref_slice %arg3[%mul3A_66] : memref<16384xi32, #tpu.memory_space<hbm>> -> memref<16xi32, #tpu.memory_space<hbm>>
      tpu.enqueue_dma source(%dma_start3A_233 : memref<16xi32, #tpu.memory_space<hbm>>) target(%arg7 : memref<16xi32, #tpu.memory_space<vmem>>) target_semaphore(%run_scoped3A : memref<!tpu.dma_semaphore, #tpu.memory_space<semaphore_mem>>)
      %dma_wait3A = tpu.memref_slice %arg3[%mul3A_66] : memref<16384xi32, #tpu.memory_space<hbm>> -> memref<16xi32, #tpu.memory_space<hbm>>
      %dma_wait3A_234 = tpu.memref_slice %arg3[%mul3A_66] : memref<16384xi32, #tpu.memory_space<hbm>> -> memref<16xi32, #tpu.memory_space<hbm>>
      tpu.wait_dma2 semaphore(%run_scoped3A : memref<!tpu.dma_semaphore, #tpu.memory_space<semaphore_mem>>) src(%dma_wait3A_234 : memref<16xi32, #tpu.memory_space<hbm>>) dst(%arg7 : memref<16xi32, #tpu.memory_space<vmem>>)
      tpu.yield
    }) : () -> ()
    %get3A = arith.constant 0 : index
    %get3A_67 = tpu.vector_load %arg7[%get3A] {strides = array<i32>} : memref<16xi32, #tpu.memory_space<vmem>>, vector<16xi32>,
    %shift_right_arithmetic3A = arith.constant 1 : i32
    %shift_right_arithmetic3A_68 = vector.broadcast %shift_right_arithmetic3A : i32 to vector<16xi32>
    %shift_right_arithmetic3A_69 = arith.shrsi %get3A_67, %shift_right_arithmetic3A_68 : vector<16xi32>
    %max3A = arith.constant 1 : i32
    %max3A_70 = vector.broadcast %max3A : i32 to vector<16xi32>
    %max3A_71 = arith.maxsi %max3A_70, %shift_right_arithmetic3A_69 : vector<16xi32>
    %scan3A = arith.constant 0 : i32
    %scan3A_72 = arith.constant 15 : i32
    %scan3A_73 = arith.addi %scan3A, %scan3A_72 : i32
    %scan3A_74 = arith.constant 1 : i32
    %scan3A_75:2 = scf.for %scan3A_233 = %scan3A to %scan3A_73 step %scan3A_74 iter_args(%scan3A_234 = %broadcast_in_dim3A_30, %scan3A_235 = %broadcast_in_dim3A_30) -> (vector<16xi32>, vector<16xi32>)  : i32 {
      %sub3A_236 = arith.constant 29 : i32
      %sub3A_237 = arith.subi %sub3A_236, %scan3A_233 : i32
      %shift_left3A = arith.constant 1 : i32
      %shift_left3A_238 = arith.shli %shift_left3A, %sub3A_237 : i32
      %or3A = vector.broadcast %shift_left3A_238 : i32 to vector<16xi32>
      %or3A_239 = arith.ori %scan3A_234, %or3A : vector<16xi32>
      %parallel_loop3A = arith.constant 0 : i32
      %parallel_loop3A_240 = arith.constant 4096 : i32
      %parallel_loop3A_241 = arith.constant 1 : i32
      %parallel_loop3A_242 = scf.for %parallel_loop3A_301 = %parallel_loop3A to %parallel_loop3A_240 step %parallel_loop3A_241 iter_args(%parallel_loop3A_302 = %broadcast_in_dim3A_30) -> (vector<16xi32>)  : i32 {
        %parallel_loop3A_303 = arith.constant 16 : i32
        %parallel_loop3A_304 = arith.muli %parallel_loop3A_301, %parallel_loop3A_303 : i32
        %parallel_loop3A_305 = arith.index_cast %parallel_loop3A_304 : i32 to index
        %parallel_loop3A_306 = tpu.vector_load %arg6[%parallel_loop3A_305] {strides = array<i32>} : memref<65552xi32, #tpu.memory_space<vmem>>, vector<16xi32>,
        %parallel_loop3A_307 = arith.cmpi slt, %parallel_loop3A_306, %or3A_239 : vector<16xi32>
        %parallel_loop3A_308 = arith.constant 1 : i32
        %parallel_loop3A_309 = arith.constant 0 : i32
        %parallel_loop3A_310 = vector.broadcast %parallel_loop3A_308 : i32 to vector<16xi32>
        %parallel_loop3A_311 = vector.broadcast %parallel_loop3A_309 : i32 to vector<16xi32>
        %parallel_loop3A_312 = arith.select %parallel_loop3A_307, %parallel_loop3A_310, %parallel_loop3A_311 : vector<16xi1>, vector<16xi32>
        %parallel_loop3A_313 = arith.addi %parallel_loop3A_302, %parallel_loop3A_312 : vector<16xi32>
        scf.yield %parallel_loop3A_313 : vector<16xi32>
      } {sc.loop_unroll_factor = 8 : i64, sc.parallel_access}
      %reduce_sum3A = arith.constant true
      %reduce_sum3A_243 = vector.broadcast %reduce_sum3A : i1 to vector<16xi1>
      %reduce_sum3A_244 = tpu.scan <sum>, %parallel_loop3A_242 masked %reduce_sum3A_243 : vector<16xi32>, vector<16xi1> -> vector<16xi32>
      %reduce_sum3A_245 = vector.extract %reduce_sum3A_244[15] : i32 from vector<16xi32>
      %broadcast_in_dim3A_246 = vector.broadcast %reduce_sum3A_245 : i32 to vector<16xi32>
      %jit3A_247 = arith.constant 2 : i32
      %eq3A_248 = arith.constant 0 : i32
      %eq3A_249 = arith.cmpi eq, %jit3A_247, %eq3A_248 : i32
      %jit3A_250 = arith.constant 1 : i32
      %select_n3A_251 = arith.select %eq3A_249, %jit3A_250, %jit3A_247 : i32
      %rem3A_252 = arith.remsi %scan3A_233, %select_n3A_251 : i32
      %ne3A_253 = arith.constant 0 : i32
      %ne3A_254 = arith.cmpi ne, %rem3A_252, %ne3A_253 : i32
      %lt3A_255 = arith.constant 0 : i32
      %lt3A_256 = arith.cmpi slt, %rem3A_252, %lt3A_255 : i32
      %lt3A_257 = arith.constant 0 : i32
      %lt3A_258 = arith.cmpi slt, %select_n3A_251, %lt3A_257 : i32
      %ne3A_259 = arith.xori %lt3A_256, %lt3A_258 : i1
      %and3A_260 = arith.andi %ne3A_259, %ne3A_254 : i1
      %add3A_261 = arith.addi %rem3A_252, %select_n3A_251 : i32
      %select_n3A_262 = arith.select %and3A_260, %add3A_261, %rem3A_252 : i32
      %swap3A_263 = arith.constant 0 : index
      %swap3A_264 = tpu.vector_load %arg7[%swap3A_263] {strides = array<i32>} : memref<16xi32, #tpu.memory_space<vmem>>, vector<16xi32>,
      tpu.vector_store %arg7[%swap3A_263], %broadcast_in_dim3A_246 {strides = array<i32>} : memref<16xi32, #tpu.memory_space<vmem>>, vector<16xi32>,
      %mul3A_265 = arith.constant 32 : i32
      %mul3A_266 = arith.muli %select_n3A_262, %mul3A_265 : i32
      %mul3A_267 = arith.constant 16 : i32
      %mul3A_268 = arith.muli %arg0, %mul3A_267 : i32
      %add3A_269 = arith.addi %mul3A_266, %mul3A_268 : i32
      %add3A_270 = arith.addi %add3A_269, %arg1 : i32
      "tpu.region"() ({
        %run_scoped3A = tpu.sem_alloc : memref<!tpu.dma_semaphore, #tpu.memory_space<semaphore_mem>>
        %dma_start3A = arith.constant 0 : i32
        %dma_start3A_301 = tpu.memref_slice %arg5[%add3A_270, %dma_start3A] : memref<64x16xi32, #tpu.memory_space<hbm>> -> memref<1x16xi32, #tpu.memory_space<hbm>>
        %dma_start3A_302 = tpu.memref_squeeze %dma_start3A_301 : memref<1x16xi32, #tpu.memory_space<hbm>> -> memref<16xi32, #tpu.memory_space<hbm>>
        %dma_start3A_303 = arith.constant 0 : i32
        %dma_start3A_304 = tpu.memref_slice %arg5[%add3A_270, %dma_start3A_303] : memref<64x16xi32, #tpu.memory_space<hbm>> -> memref<1x16xi32, #tpu.memory_space<hbm>>
        %dma_start3A_305 = tpu.memref_squeeze %dma_start3A_304 : memref<1x16xi32, #tpu.memory_space<hbm>> -> memref<16xi32, #tpu.memory_space<hbm>>
        tpu.enqueue_dma source(%arg7 : memref<16xi32, #tpu.memory_space<vmem>>) target(%dma_start3A_305 : memref<16xi32, #tpu.memory_space<hbm>>) target_semaphore(%run_scoped3A : memref<!tpu.dma_semaphore, #tpu.memory_space<semaphore_mem>>)
        %dma_wait3A = arith.constant 0 : i32
        %dma_wait3A_306 = tpu.memref_slice %arg5[%add3A_270, %dma_wait3A] : memref<64x16xi32, #tpu.memory_space<hbm>> -> memref<1x16xi32, #tpu.memory_space<hbm>>
        %dma_wait3A_307 = tpu.memref_squeeze %dma_wait3A_306 : memref<1x16xi32, #tpu.memory_space<hbm>> -> memref<16xi32, #tpu.memory_space<hbm>>
        %dma_wait3A_308 = arith.constant 0 : i32
        %dma_wait3A_309 = tpu.memref_slice %arg5[%add3A_270, %dma_wait3A_308] : memref<64x16xi32, #tpu.memory_space<hbm>> -> memref<1x16xi32, #tpu.memory_space<hbm>>
        %dma_wait3A_310 = tpu.memref_squeeze %dma_wait3A_309 : memref<1x16xi32, #tpu.memory_space<hbm>> -> memref<16xi32, #tpu.memory_space<hbm>>
        tpu.wait_dma2 semaphore(%run_scoped3A : memref<!tpu.dma_semaphore, #tpu.memory_space<semaphore_mem>>) src(%arg7 : memref<16xi32, #tpu.memory_space<vmem>>) dst(%dma_wait3A_310 : memref<16xi32, #tpu.memory_space<hbm>>)
        tpu.yield
      }) : () -> ()
      %barrier3A = arith.constant 0 : index
      tpu.barrier barrier_id(%barrier3A)
      %mul3A_271 = arith.constant 32 : i32
      %mul3A_272 = arith.muli %select_n3A_262, %mul3A_271 : i32
      %mul3A_273 = arith.constant 16 : i32
      %mul3A_274 = arith.muli %arg0, %mul3A_273 : i32
      %add3A_275 = arith.addi %mul3A_272, %mul3A_274 : i32
      %add3A_276 = arith.addi %add3A_275, %mul3A_29 : i32
      "tpu.region"() ({
        %run_scoped3A = tpu.sem_alloc : memref<!tpu.dma_semaphore, #tpu.memory_space<semaphore_mem>>
        %dma_start3A = arith.constant 0 : i32
        %dma_start3A_301 = tpu.memref_slice %arg5[%add3A_276, %dma_start3A] : memref<64x16xi32, #tpu.memory_space<hbm>> -> memref<4x16xi32, #tpu.memory_space<hbm>>
        %dma_start3A_302 = arith.constant 0 : i32
        %dma_start3A_303 = tpu.memref_slice %arg5[%add3A_276, %dma_start3A_302] : memref<64x16xi32, #tpu.memory_space<hbm>> -> memref<4x16xi32, #tpu.memory_space<hbm>>
        tpu.enqueue_dma source(%dma_start3A_303 : memref<4x16xi32, #tpu.memory_space<hbm>>) target(%arg8 : memref<4x16xi32, #tpu.memory_space<vmem>>) target_semaphore(%run_scoped3A : memref<!tpu.dma_semaphore, #tpu.memory_space<semaphore_mem>>)
        %dma_wait3A = arith.constant 0 : i32
        %dma_wait3A_304 = tpu.memref_slice %arg5[%add3A_276, %dma_wait3A] : memref<64x16xi32, #tpu.memory_space<hbm>> -> memref<4x16xi32, #tpu.memory_space<hbm>>
        %dma_wait3A_305 = arith.constant 0 : i32
        %dma_wait3A_306 = tpu.memref_slice %arg5[%add3A_276, %dma_wait3A_305] : memref<64x16xi32, #tpu.memory_space<hbm>> -> memref<4x16xi32, #tpu.memory_space<hbm>>
        tpu.wait_dma2 semaphore(%run_scoped3A : memref<!tpu.dma_semaphore, #tpu.memory_space<semaphore_mem>>) src(%dma_wait3A_306 : memref<4x16xi32, #tpu.memory_space<hbm>>) dst(%arg8 : memref<4x16xi32, #tpu.memory_space<vmem>>)
        tpu.yield
      }) : () -> ()
      %get3A_277 = arith.constant 0 : i32
      %get3A_278 = arith.index_cast %get3A_277 : i32 to index
      %get3A_279 = arith.constant 0 : index
      %get3A_280 = tpu.vector_load %arg8[%get3A_278, %get3A_279] {strides = array<i32>} : memref<4x16xi32, #tpu.memory_space<vmem>>, vector<16xi32>,
      %get3A_281 = arith.constant 1 : i32
      %get3A_282 = arith.index_cast %get3A_281 : i32 to index
      %get3A_283 = arith.constant 0 : index
      %get3A_284 = tpu.vector_load %arg8[%get3A_282, %get3A_283] {strides = array<i32>} : memref<4x16xi32, #tpu.memory_space<vmem>>, vector<16xi32>,
      %add3A_285 = arith.addi %get3A_280, %get3A_284 : vector<16xi32>
      %get3A_286 = arith.constant 2 : i32
      %get3A_287 = arith.index_cast %get3A_286 : i32 to index
      %get3A_288 = arith.constant 0 : index
      %get3A_289 = tpu.vector_load %arg8[%get3A_287, %get3A_288] {strides = array<i32>} : memref<4x16xi32, #tpu.memory_space<vmem>>, vector<16xi32>,
      %add3A_290 = arith.addi %add3A_285, %get3A_289 : vector<16xi32>
      %get3A_291 = arith.constant 3 : i32
      %get3A_292 = arith.index_cast %get3A_291 : i32 to index
      %get3A_293 = arith.constant 0 : index
      %get3A_294 = tpu.vector_load %arg8[%get3A_292, %get3A_293] {strides = array<i32>} : memref<4x16xi32, #tpu.memory_space<vmem>>, vector<16xi32>,
      %add3A_295 = arith.addi %add3A_290, %get3A_294 : vector<16xi32>
      %sub3A_296 = arith.constant 1 : i32
      %sub3A_297 = vector.broadcast %sub3A_296 : i32 to vector<16xi32>
      %sub3A_298 = arith.subi %max3A_71, %sub3A_297 : vector<16xi32>
      %le3A = arith.cmpi sle, %add3A_295, %sub3A_298 : vector<16xi32>
      %select_n3A_299 = arith.select %le3A, %or3A_239, %scan3A_234 : vector<16xi1>, vector<16xi32>
      %select_n3A_300 = arith.select %le3A, %add3A_295, %scan3A_235 : vector<16xi1>, vector<16xi32>
      scf.yield %select_n3A_299, %select_n3A_300 : vector<16xi32>, vector<16xi32>
    }
    %scan3A_76 = arith.constant 15 : i32
    %sub3A_77 = arith.subi %max3A_71, %scan3A_75#1 : vector<16xi32>
    %add3A_78 = arith.constant 32768 : i32
    %add3A_79 = vector.broadcast %add3A_78 : i32 to vector<16xi32>
    %add3A_80 = arith.addi %scan3A_75#0, %add3A_79 : vector<16xi32>
    %scan3A_81 = arith.constant 0 : i32
    %scan3A_82 = arith.constant 0 : i32
    %scan3A_83 = arith.constant 1024 : i32
    %scan3A_84 = arith.addi %scan3A_82, %scan3A_83 : i32
    %scan3A_85 = arith.constant 1 : i32
    %scan3A_86 = scf.for %scan3A_233 = %scan3A_82 to %scan3A_84 step %scan3A_85 iter_args(%scan3A_234 = %scan3A_81) -> (i32)  : i32 {
      %mul3A_235 = arith.constant 4 : i32
      %mul3A_236 = arith.muli %scan3A_233, %mul3A_235 : i32
      %add3A_237 = arith.constant 0 : i32
      %add3A_238 = arith.addi %mul3A_236, %add3A_237 : i32
      %mul3A_239 = arith.constant 16 : i32
      %mul3A_240 = arith.muli %add3A_238, %mul3A_239 : i32
      %get3A_241 = arith.index_cast %mul3A_240 : i32 to index
      %get3A_242 = tpu.vector_load %arg6[%get3A_241] {strides = array<i32>} : memref<65552xi32, #tpu.memory_space<vmem>>, vector<16xi32>,
      %ge3A = arith.cmpi sge, %get3A_242, %scan3A_75#0 : vector<16xi32>
      %lt3A_243 = arith.cmpi slt, %get3A_242, %add3A_80 : vector<16xi32>
      %and3A_244 = arith.andi %ge3A, %lt3A_243 : vector<16xi1>
      %swap3A_245 = arith.index_cast %scan3A_234 : i32 to index
      %swap3A_246 = tpu.vector_load %arg6[%swap3A_245] masked %and3A_244 {strides = array<i32>} : memref<65552xi32, #tpu.memory_space<vmem>>, vector<16xi32>, vector<16xi1>
      tpu.vector_store %arg6[%swap3A_245], %get3A_242 masked %and3A_244 {strides = array<i32>} : memref<65552xi32, #tpu.memory_space<vmem>>, vector<16xi32>, vector<16xi1>
      %all_reduce_population_count3A = tpu.all_reduce %and3A_244 {dim = 0 : i64, kind = #tpu.reduction_kind<sum>} : vector<16xi1> -> vector<16xi32>
      %slice3A = vector.extract_strided_slice %all_reduce_population_count3A {offsets = [0], sizes = [1], strides = [1]} : vector<16xi32> to vector<1xi32>
      %squeeze3A = vector.extract %slice3A[0] : i32 from vector<1xi32>
      %add3A_247 = arith.addi %scan3A_234, %squeeze3A : i32
      %mul3A_248 = arith.constant 4 : i32
      %mul3A_249 = arith.muli %scan3A_233, %mul3A_248 : i32
      %add3A_250 = arith.constant 1 : i32
      %add3A_251 = arith.addi %mul3A_249, %add3A_250 : i32
      %mul3A_252 = arith.constant 16 : i32
      %mul3A_253 = arith.muli %add3A_251, %mul3A_252 : i32
      %get3A_254 = arith.index_cast %mul3A_253 : i32 to index
      %get3A_255 = tpu.vector_load %arg6[%get3A_254] {strides = array<i32>} : memref<65552xi32, #tpu.memory_space<vmem>>, vector<16xi32>,
      %ge3A_256 = arith.cmpi sge, %get3A_255, %scan3A_75#0 : vector<16xi32>
      %lt3A_257 = arith.cmpi slt, %get3A_255, %add3A_80 : vector<16xi32>
      %and3A_258 = arith.andi %ge3A_256, %lt3A_257 : vector<16xi1>
      %swap3A_259 = arith.index_cast %add3A_247 : i32 to index
      %swap3A_260 = tpu.vector_load %arg6[%swap3A_259] masked %and3A_258 {strides = array<i32>} : memref<65552xi32, #tpu.memory_space<vmem>>, vector<16xi32>, vector<16xi1>
      tpu.vector_store %arg6[%swap3A_259], %get3A_255 masked %and3A_258 {strides = array<i32>} : memref<65552xi32, #tpu.memory_space<vmem>>, vector<16xi32>, vector<16xi1>
      %all_reduce_population_count3A_261 = tpu.all_reduce %and3A_258 {dim = 0 : i64, kind = #tpu.reduction_kind<sum>} : vector<16xi1> -> vector<16xi32>
      %slice3A_262 = vector.extract_strided_slice %all_reduce_population_count3A_261 {offsets = [0], sizes = [1], strides = [1]} : vector<16xi32> to vector<1xi32>
      %squeeze3A_263 = vector.extract %slice3A_262[0] : i32 from vector<1xi32>
      %add3A_264 = arith.addi %add3A_247, %squeeze3A_263 : i32
      %mul3A_265 = arith.constant 4 : i32
      %mul3A_266 = arith.muli %scan3A_233, %mul3A_265 : i32
      %add3A_267 = arith.constant 2 : i32
      %add3A_268 = arith.addi %mul3A_266, %add3A_267 : i32
      %mul3A_269 = arith.constant 16 : i32
      %mul3A_270 = arith.muli %add3A_268, %mul3A_269 : i32
      %get3A_271 = arith.index_cast %mul3A_270 : i32 to index
      %get3A_272 = tpu.vector_load %arg6[%get3A_271] {strides = array<i32>} : memref<65552xi32, #tpu.memory_space<vmem>>, vector<16xi32>,
      %ge3A_273 = arith.cmpi sge, %get3A_272, %scan3A_75#0 : vector<16xi32>
      %lt3A_274 = arith.cmpi slt, %get3A_272, %add3A_80 : vector<16xi32>
      %and3A_275 = arith.andi %ge3A_273, %lt3A_274 : vector<16xi1>
      %swap3A_276 = arith.index_cast %add3A_264 : i32 to index
      %swap3A_277 = tpu.vector_load %arg6[%swap3A_276] masked %and3A_275 {strides = array<i32>} : memref<65552xi32, #tpu.memory_space<vmem>>, vector<16xi32>, vector<16xi1>
      tpu.vector_store %arg6[%swap3A_276], %get3A_272 masked %and3A_275 {strides = array<i32>} : memref<65552xi32, #tpu.memory_space<vmem>>, vector<16xi32>, vector<16xi1>
      %all_reduce_population_count3A_278 = tpu.all_reduce %and3A_275 {dim = 0 : i64, kind = #tpu.reduction_kind<sum>} : vector<16xi1> -> vector<16xi32>
      %slice3A_279 = vector.extract_strided_slice %all_reduce_population_count3A_278 {offsets = [0], sizes = [1], strides = [1]} : vector<16xi32> to vector<1xi32>
      %squeeze3A_280 = vector.extract %slice3A_279[0] : i32 from vector<1xi32>
      %add3A_281 = arith.addi %add3A_264, %squeeze3A_280 : i32
      %mul3A_282 = arith.constant 4 : i32
      %mul3A_283 = arith.muli %scan3A_233, %mul3A_282 : i32
      %add3A_284 = arith.constant 3 : i32
      %add3A_285 = arith.addi %mul3A_283, %add3A_284 : i32
      %mul3A_286 = arith.constant 16 : i32
      %mul3A_287 = arith.muli %add3A_285, %mul3A_286 : i32
      %get3A_288 = arith.index_cast %mul3A_287 : i32 to index
      %get3A_289 = tpu.vector_load %arg6[%get3A_288] {strides = array<i32>} : memref<65552xi32, #tpu.memory_space<vmem>>, vector<16xi32>,
      %ge3A_290 = arith.cmpi sge, %get3A_289, %scan3A_75#0 : vector<16xi32>
      %lt3A_291 = arith.cmpi slt, %get3A_289, %add3A_80 : vector<16xi32>
      %and3A_292 = arith.andi %ge3A_290, %lt3A_291 : vector<16xi1>
      %swap3A_293 = arith.index_cast %add3A_281 : i32 to index
      %swap3A_294 = tpu.vector_load %arg6[%swap3A_293] masked %and3A_292 {strides = array<i32>} : memref<65552xi32, #tpu.memory_space<vmem>>, vector<16xi32>, vector<16xi1>
      tpu.vector_store %arg6[%swap3A_293], %get3A_289 masked %and3A_292 {strides = array<i32>} : memref<65552xi32, #tpu.memory_space<vmem>>, vector<16xi32>, vector<16xi1>
      %all_reduce_population_count3A_295 = tpu.all_reduce %and3A_292 {dim = 0 : i64, kind = #tpu.reduction_kind<sum>} : vector<16xi1> -> vector<16xi32>
      %slice3A_296 = vector.extract_strided_slice %all_reduce_population_count3A_295 {offsets = [0], sizes = [1], strides = [1]} : vector<16xi32> to vector<1xi32>
      %squeeze3A_297 = vector.extract %slice3A_296[0] : i32 from vector<1xi32>
      %add3A_298 = arith.addi %add3A_281, %squeeze3A_297 : i32
      scf.yield %add3A_298 : i32
    }
    %scan3A_87 = arith.constant 1024 : i32
    %iota3A = tpu.iota {dimensions = array<i32: 0>} : vector<16xi32>
    %add3A_88 = vector.broadcast %scan3A_86 : i32 to vector<16xi32>
    %add3A_89 = arith.addi %add3A_88, %iota3A : vector<16xi32>
    %broadcast_in_dim3A_90 = arith.constant 2147483647 : i32
    %broadcast_in_dim3A_91 = vector.broadcast %broadcast_in_dim3A_90 : i32 to vector<16xi32>
    tpu.vector_store_idx %arg6[%add3A_89], %broadcast_in_dim3A_91 : memref<65552xi32, #tpu.memory_space<vmem>>[vector<16xi32>], vector<16xi32>,
    %add3A_92 = arith.constant 15 : i32
    %add3A_93 = arith.addi %scan3A_86, %add3A_92 : i32
    %jit3A_94 = arith.constant 16 : i32
    %div3A_95 = arith.divsi %add3A_93, %jit3A_94 : i32
    %sign3A_96 = arith.constant 0 : i32
    %sign3A_97 = arith.cmpi sgt, %add3A_93, %sign3A_96 : i32
    %sign3A_98 = arith.extui %sign3A_97 : i1 to i32
    %sign3A_99 = arith.constant 0 : i32
    %sign3A_100 = arith.cmpi slt, %add3A_93, %sign3A_99 : i32
    %sign3A_101 = arith.extui %sign3A_100 : i1 to i32
    %sign3A_102 = arith.subi %sign3A_98, %sign3A_101 : i32
    %sign3A_103 = arith.constant 0 : i32
    %sign3A_104 = arith.cmpi sgt, %jit3A_94, %sign3A_103 : i32
    %sign3A_105 = arith.extui %sign3A_104 : i1 to i32
    %sign3A_106 = arith.constant 0 : i32
    %sign3A_107 = arith.cmpi slt, %jit3A_94, %sign3A_106 : i32
    %sign3A_108 = arith.extui %sign3A_107 : i1 to i32
    %sign3A_109 = arith.subi %sign3A_105, %sign3A_108 : i32
    %ne3A_110 = arith.cmpi ne, %sign3A_102, %sign3A_109 : i32
    %rem3A_111 = arith.remsi %add3A_93, %jit3A_94 : i32
    %ne3A_112 = arith.constant 0 : i32
    %ne3A_113 = arith.cmpi ne, %rem3A_111, %ne3A_112 : i32
    %and3A_114 = arith.andi %ne3A_110, %ne3A_113 : i1
    %sub3A_115 = arith.constant 1 : i32
    %sub3A_116 = arith.subi %div3A_95, %sub3A_115 : i32
    %select_n3A_117 = arith.select %and3A_114, %sub3A_116, %div3A_95 : i32
    %scan3A_118 = arith.constant 0 : i32
    %scan3A_119 = arith.constant 15 : i32
    %scan3A_120 = arith.addi %scan3A_118, %scan3A_119 : i32
    %scan3A_121 = arith.constant 1 : i32
    %scan3A_122 = scf.for %scan3A_233 = %scan3A_118 to %scan3A_120 step %scan3A_121 iter_args(%scan3A_234 = %scan3A_75#0) -> (vector<16xi32>)  : i32 {
      %sub3A_235 = arith.constant 14 : i32
      %sub3A_236 = arith.subi %sub3A_235, %scan3A_233 : i32
      %shift_left3A = arith.constant 1 : i32
      %shift_left3A_237 = arith.shli %shift_left3A, %sub3A_236 : i32
      %or3A = vector.broadcast %shift_left3A_237 : i32 to vector<16xi32>
      %or3A_238 = arith.ori %scan3A_234, %or3A : vector<16xi32>
      %while3A = arith.constant 0 : i32
      %while3A_239 = arith.subi %select_n3A_117, %while3A : i32
      %while3A_240 = arith.addi %while3A, %while3A_239 : i32
      %while3A_241 = arith.constant 1 : i32
      %while3A_242 = arith.divsi %while3A_239, %while3A_241 : i32
      %while3A_243 = arith.muli %while3A_242, %while3A_241 : i32
      %while3A_244 = arith.addi %while3A, %while3A_243 : i32
      %while3A_245 = arith.constant 1 : i32
      %while3A_246 = scf.for %while3A_308 = %while3A to %while3A_244 step %while3A_245 iter_args(%while3A_309 = %broadcast_in_dim3A_30) -> (vector<16xi32>)  : i32 {
        %mul3A_310 = arith.constant 16 : i32
        %mul3A_311 = arith.muli %while3A_308, %mul3A_310 : i32
        %get3A_312 = arith.index_cast %mul3A_311 : i32 to index
        %get3A_313 = tpu.vector_load %arg6[%get3A_312] {strides = array<i32>} : memref<65552xi32, #tpu.memory_space<vmem>>, vector<16xi32>,
        %lt3A_314 = arith.cmpi slt, %get3A_313, %or3A_238 : vector<16xi32>
        %jit3A_315 = arith.constant 1 : i32
        %jit3A_316 = arith.constant 0 : i32
        %broadcast_in_dim3A_317 = vector.broadcast %jit3A_315 : i32 to vector<16xi32>
        %broadcast_in_dim3A_318 = vector.broadcast %jit3A_316 : i32 to vector<16xi32>
        %select_n3A_319 = arith.select %lt3A_314, %broadcast_in_dim3A_317, %broadcast_in_dim3A_318 : vector<16xi1>, vector<16xi32>
        %add3A_320 = arith.addi %while3A_309, %select_n3A_319 : vector<16xi32>
        scf.yield %add3A_320 : vector<16xi32>
      }
      %while3A_247 = arith.constant 1 : i32
      %while3A_248 = scf.for %while3A_308 = %while3A_244 to %while3A_240 step %while3A_247 iter_args(%while3A_309 = %while3A_246) -> (vector<16xi32>)  : i32 {
        %mul3A_310 = arith.constant 16 : i32
        %mul3A_311 = arith.muli %while3A_308, %mul3A_310 : i32
        %get3A_312 = arith.index_cast %mul3A_311 : i32 to index
        %get3A_313 = tpu.vector_load %arg6[%get3A_312] {strides = array<i32>} : memref<65552xi32, #tpu.memory_space<vmem>>, vector<16xi32>,
        %lt3A_314 = arith.cmpi slt, %get3A_313, %or3A_238 : vector<16xi32>
        %jit3A_315 = arith.constant 1 : i32
        %jit3A_316 = arith.constant 0 : i32
        %broadcast_in_dim3A_317 = vector.broadcast %jit3A_315 : i32 to vector<16xi32>
        %broadcast_in_dim3A_318 = vector.broadcast %jit3A_316 : i32 to vector<16xi32>
        %select_n3A_319 = arith.select %lt3A_314, %broadcast_in_dim3A_317, %broadcast_in_dim3A_318 : vector<16xi1>, vector<16xi32>
        %add3A_320 = arith.addi %while3A_309, %select_n3A_319 : vector<16xi32>
        scf.yield %add3A_320 : vector<16xi32>
      }
      %reduce_sum3A = arith.constant true
      %reduce_sum3A_249 = vector.broadcast %reduce_sum3A : i1 to vector<16xi1>
      %reduce_sum3A_250 = tpu.scan <sum>, %while3A_248 masked %reduce_sum3A_249 : vector<16xi32>, vector<16xi1> -> vector<16xi32>
      %reduce_sum3A_251 = vector.extract %reduce_sum3A_250[15] : i32 from vector<16xi32>
      %broadcast_in_dim3A_252 = vector.broadcast %reduce_sum3A_251 : i32 to vector<16xi32>
      %add3A_253 = arith.constant 1 : i32
      %add3A_254 = arith.addi %scan3A_233, %add3A_253 : i32
      %jit3A_255 = arith.constant 2 : i32
      %eq3A_256 = arith.constant 0 : i32
      %eq3A_257 = arith.cmpi eq, %jit3A_255, %eq3A_256 : i32
      %jit3A_258 = arith.constant 1 : i32
      %select_n3A_259 = arith.select %eq3A_257, %jit3A_258, %jit3A_255 : i32
      %rem3A_260 = arith.remsi %add3A_254, %select_n3A_259 : i32
      %ne3A_261 = arith.constant 0 : i32
      %ne3A_262 = arith.cmpi ne, %rem3A_260, %ne3A_261 : i32
      %lt3A_263 = arith.constant 0 : i32
      %lt3A_264 = arith.cmpi slt, %rem3A_260, %lt3A_263 : i32
      %lt3A_265 = arith.constant 0 : i32
      %lt3A_266 = arith.cmpi slt, %select_n3A_259, %lt3A_265 : i32
      %ne3A_267 = arith.xori %lt3A_264, %lt3A_266 : i1
      %and3A_268 = arith.andi %ne3A_267, %ne3A_262 : i1
      %add3A_269 = arith.addi %rem3A_260, %select_n3A_259 : i32
      %select_n3A_270 = arith.select %and3A_268, %add3A_269, %rem3A_260 : i32
      %swap3A_271 = arith.constant 0 : index
      %swap3A_272 = tpu.vector_load %arg7[%swap3A_271] {strides = array<i32>} : memref<16xi32, #tpu.memory_space<vmem>>, vector<16xi32>,
      tpu.vector_store %arg7[%swap3A_271], %broadcast_in_dim3A_252 {strides = array<i32>} : memref<16xi32, #tpu.memory_space<vmem>>, vector<16xi32>,
      %mul3A_273 = arith.constant 32 : i32
      %mul3A_274 = arith.muli %select_n3A_270, %mul3A_273 : i32
      %mul3A_275 = arith.constant 16 : i32
      %mul3A_276 = arith.muli %arg0, %mul3A_275 : i32
      %add3A_277 = arith.addi %mul3A_274, %mul3A_276 : i32
      %add3A_278 = arith.addi %add3A_277, %arg1 : i32
      "tpu.region"() ({
        %run_scoped3A = tpu.sem_alloc : memref<!tpu.dma_semaphore, #tpu.memory_space<semaphore_mem>>
        %dma_start3A = arith.constant 0 : i32
        %dma_start3A_308 = tpu.memref_slice %arg5[%add3A_278, %dma_start3A] : memref<64x16xi32, #tpu.memory_space<hbm>> -> memref<1x16xi32, #tpu.memory_space<hbm>>
        %dma_start3A_309 = tpu.memref_squeeze %dma_start3A_308 : memref<1x16xi32, #tpu.memory_space<hbm>> -> memref<16xi32, #tpu.memory_space<hbm>>
        %dma_start3A_310 = arith.constant 0 : i32
        %dma_start3A_311 = tpu.memref_slice %arg5[%add3A_278, %dma_start3A_310] : memref<64x16xi32, #tpu.memory_space<hbm>> -> memref<1x16xi32, #tpu.memory_space<hbm>>
        %dma_start3A_312 = tpu.memref_squeeze %dma_start3A_311 : memref<1x16xi32, #tpu.memory_space<hbm>> -> memref<16xi32, #tpu.memory_space<hbm>>
        tpu.enqueue_dma source(%arg7 : memref<16xi32, #tpu.memory_space<vmem>>) target(%dma_start3A_312 : memref<16xi32, #tpu.memory_space<hbm>>) target_semaphore(%run_scoped3A : memref<!tpu.dma_semaphore, #tpu.memory_space<semaphore_mem>>)
        %dma_wait3A = arith.constant 0 : i32
        %dma_wait3A_313 = tpu.memref_slice %arg5[%add3A_278, %dma_wait3A] : memref<64x16xi32, #tpu.memory_space<hbm>> -> memref<1x16xi32, #tpu.memory_space<hbm>>
        %dma_wait3A_314 = tpu.memref_squeeze %dma_wait3A_313 : memref<1x16xi32, #tpu.memory_space<hbm>> -> memref<16xi32, #tpu.memory_space<hbm>>
        %dma_wait3A_315 = arith.constant 0 : i32
        %dma_wait3A_316 = tpu.memref_slice %arg5[%add3A_278, %dma_wait3A_315] : memref<64x16xi32, #tpu.memory_space<hbm>> -> memref<1x16xi32, #tpu.memory_space<hbm>>
        %dma_wait3A_317 = tpu.memref_squeeze %dma_wait3A_316 : memref<1x16xi32, #tpu.memory_space<hbm>> -> memref<16xi32, #tpu.memory_space<hbm>>
        tpu.wait_dma2 semaphore(%run_scoped3A : memref<!tpu.dma_semaphore, #tpu.memory_space<semaphore_mem>>) src(%arg7 : memref<16xi32, #tpu.memory_space<vmem>>) dst(%dma_wait3A_317 : memref<16xi32, #tpu.memory_space<hbm>>)
        tpu.yield
      }) : () -> ()
      %barrier3A = arith.constant 0 : index
      tpu.barrier barrier_id(%barrier3A)
      %mul3A_279 = arith.constant 32 : i32
      %mul3A_280 = arith.muli %select_n3A_270, %mul3A_279 : i32
      %mul3A_281 = arith.constant 16 : i32
      %mul3A_282 = arith.muli %arg0, %mul3A_281 : i32
      %add3A_283 = arith.addi %mul3A_280, %mul3A_282 : i32
      %add3A_284 = arith.addi %add3A_283, %mul3A_29 : i32
      "tpu.region"() ({
        %run_scoped3A = tpu.sem_alloc : memref<!tpu.dma_semaphore, #tpu.memory_space<semaphore_mem>>
        %dma_start3A = arith.constant 0 : i32
        %dma_start3A_308 = tpu.memref_slice %arg5[%add3A_284, %dma_start3A] : memref<64x16xi32, #tpu.memory_space<hbm>> -> memref<4x16xi32, #tpu.memory_space<hbm>>
        %dma_start3A_309 = arith.constant 0 : i32
        %dma_start3A_310 = tpu.memref_slice %arg5[%add3A_284, %dma_start3A_309] : memref<64x16xi32, #tpu.memory_space<hbm>> -> memref<4x16xi32, #tpu.memory_space<hbm>>
        tpu.enqueue_dma source(%dma_start3A_310 : memref<4x16xi32, #tpu.memory_space<hbm>>) target(%arg8 : memref<4x16xi32, #tpu.memory_space<vmem>>) target_semaphore(%run_scoped3A : memref<!tpu.dma_semaphore, #tpu.memory_space<semaphore_mem>>)
        %dma_wait3A = arith.constant 0 : i32
        %dma_wait3A_311 = tpu.memref_slice %arg5[%add3A_284, %dma_wait3A] : memref<64x16xi32, #tpu.memory_space<hbm>> -> memref<4x16xi32, #tpu.memory_space<hbm>>
        %dma_wait3A_312 = arith.constant 0 : i32
        %dma_wait3A_313 = tpu.memref_slice %arg5[%add3A_284, %dma_wait3A_312] : memref<64x16xi32, #tpu.memory_space<hbm>> -> memref<4x16xi32, #tpu.memory_space<hbm>>
        tpu.wait_dma2 semaphore(%run_scoped3A : memref<!tpu.dma_semaphore, #tpu.memory_space<semaphore_mem>>) src(%dma_wait3A_313 : memref<4x16xi32, #tpu.memory_space<hbm>>) dst(%arg8 : memref<4x16xi32, #tpu.memory_space<vmem>>)
        tpu.yield
      }) : () -> ()
      %get3A_285 = arith.constant 0 : i32
      %get3A_286 = arith.index_cast %get3A_285 : i32 to index
      %get3A_287 = arith.constant 0 : index
      %get3A_288 = tpu.vector_load %arg8[%get3A_286, %get3A_287] {strides = array<i32>} : memref<4x16xi32, #tpu.memory_space<vmem>>, vector<16xi32>,
      %get3A_289 = arith.constant 1 : i32
      %get3A_290 = arith.index_cast %get3A_289 : i32 to index
      %get3A_291 = arith.constant 0 : index
      %get3A_292 = tpu.vector_load %arg8[%get3A_290, %get3A_291] {strides = array<i32>} : memref<4x16xi32, #tpu.memory_space<vmem>>, vector<16xi32>,
      %add3A_293 = arith.addi %get3A_288, %get3A_292 : vector<16xi32>
      %get3A_294 = arith.constant 2 : i32
      %get3A_295 = arith.index_cast %get3A_294 : i32 to index
      %get3A_296 = arith.constant 0 : index
      %get3A_297 = tpu.vector_load %arg8[%get3A_295, %get3A_296] {strides = array<i32>} : memref<4x16xi32, #tpu.memory_space<vmem>>, vector<16xi32>,
      %add3A_298 = arith.addi %add3A_293, %get3A_297 : vector<16xi32>
      %get3A_299 = arith.constant 3 : i32
      %get3A_300 = arith.index_cast %get3A_299 : i32 to index
      %get3A_301 = arith.constant 0 : index
      %get3A_302 = tpu.vector_load %arg8[%get3A_300, %get3A_301] {strides = array<i32>} : memref<4x16xi32, #tpu.memory_space<vmem>>, vector<16xi32>,
      %add3A_303 = arith.addi %add3A_298, %get3A_302 : vector<16xi32>
      %sub3A_304 = arith.constant 1 : i32
      %sub3A_305 = vector.broadcast %sub3A_304 : i32 to vector<16xi32>
      %sub3A_306 = arith.subi %sub3A_77, %sub3A_305 : vector<16xi32>
      %le3A = arith.cmpi sle, %add3A_303, %sub3A_306 : vector<16xi32>
      %select_n3A_307 = arith.select %le3A, %or3A_238, %scan3A_234 : vector<16xi1>, vector<16xi32>
      scf.yield %select_n3A_307 : vector<16xi32>
    }
    %scan3A_123 = arith.constant 15 : i32
    %swap3A = arith.constant 0 : index
    %swap3A_124 = tpu.vector_load %arg7[%swap3A] {strides = array<i32>} : memref<16xi32, #tpu.memory_space<vmem>>, vector<16xi32>,
    tpu.vector_store %arg7[%swap3A], %scan3A_122 {strides = array<i32>} : memref<16xi32, #tpu.memory_space<vmem>>, vector<16xi32>,
    %eq3A_125 = arith.constant 0 : i32
    %eq3A_126 = arith.cmpi eq, %select_n3A_7, %eq3A_125 : i32
    %convert_element_type3A = arith.extui %eq3A_126 : i1 to i32
    %cond3A = arith.constant 0 : i32
    %cond3A_127 = arith.cmpi ne, %convert_element_type3A, %cond3A : i32
    scf.if %cond3A_127 {
      %mul3A_233 = arith.constant 16 : i32
      %mul3A_234 = arith.muli %add3A_59, %mul3A_233 : i32
      "tpu.region"() ({
        %run_scoped3A = tpu.sem_alloc : memref<!tpu.dma_semaphore, #tpu.memory_space<semaphore_mem>>
        %dma_start3A = tpu.memref_slice %arg4[%mul3A_234] : memref<256xi32, #tpu.memory_space<hbm>> -> memref<16xi32, #tpu.memory_space<hbm>>
        %dma_start3A_235 = tpu.memref_slice %arg4[%mul3A_234] : memref<256xi32, #tpu.memory_space<hbm>> -> memref<16xi32, #tpu.memory_space<hbm>>
        tpu.enqueue_dma source(%arg7 : memref<16xi32, #tpu.memory_space<vmem>>) target(%dma_start3A_235 : memref<16xi32, #tpu.memory_space<hbm>>) target_semaphore(%run_scoped3A : memref<!tpu.dma_semaphore, #tpu.memory_space<semaphore_mem>>)
        %dma_wait3A = tpu.memref_slice %arg4[%mul3A_234] : memref<256xi32, #tpu.memory_space<hbm>> -> memref<16xi32, #tpu.memory_space<hbm>>
        %dma_wait3A_236 = tpu.memref_slice %arg4[%mul3A_234] : memref<256xi32, #tpu.memory_space<hbm>> -> memref<16xi32, #tpu.memory_space<hbm>>
        tpu.wait_dma2 semaphore(%run_scoped3A : memref<!tpu.dma_semaphore, #tpu.memory_space<semaphore_mem>>) src(%arg7 : memref<16xi32, #tpu.memory_space<vmem>>) dst(%dma_wait3A_236 : memref<16xi32, #tpu.memory_space<hbm>>)
        tpu.yield
      }) : () -> ()
    } else {
    }
    %mul3A_128 = arith.constant 4 : i32
    %mul3A_129 = arith.muli %arg0, %mul3A_128 : i32
    %add3A_130 = arith.constant 8 : i32
    %add3A_131 = arith.addi %add3A_130, %mul3A_129 : i32
    %jit3A_132 = arith.constant 4 : i32
    %div3A_133 = arith.divsi %arg1, %jit3A_132 : i32
    %sign3A_134 = arith.constant 0 : i32
    %sign3A_135 = arith.cmpi sgt, %arg1, %sign3A_134 : i32
    %sign3A_136 = arith.extui %sign3A_135 : i1 to i32
    %sign3A_137 = arith.constant 0 : i32
    %sign3A_138 = arith.cmpi slt, %arg1, %sign3A_137 : i32
    %sign3A_139 = arith.extui %sign3A_138 : i1 to i32
    %sign3A_140 = arith.subi %sign3A_136, %sign3A_139 : i32
    %sign3A_141 = arith.constant 0 : i32
    %sign3A_142 = arith.cmpi sgt, %jit3A_132, %sign3A_141 : i32
    %sign3A_143 = arith.extui %sign3A_142 : i1 to i32
    %sign3A_144 = arith.constant 0 : i32
    %sign3A_145 = arith.cmpi slt, %jit3A_132, %sign3A_144 : i32
    %sign3A_146 = arith.extui %sign3A_145 : i1 to i32
    %sign3A_147 = arith.subi %sign3A_143, %sign3A_146 : i32
    %ne3A_148 = arith.cmpi ne, %sign3A_140, %sign3A_147 : i32
    %rem3A_149 = arith.remsi %arg1, %jit3A_132 : i32
    %ne3A_150 = arith.constant 0 : i32
    %ne3A_151 = arith.cmpi ne, %rem3A_149, %ne3A_150 : i32
    %and3A_152 = arith.andi %ne3A_148, %ne3A_151 : i1
    %sub3A_153 = arith.constant 1 : i32
    %sub3A_154 = arith.subi %div3A_133, %sub3A_153 : i32
    %select_n3A_155 = arith.select %and3A_152, %sub3A_154, %div3A_133 : i32
    %add3A_156 = arith.addi %add3A_131, %select_n3A_155 : i32
    %mul3A_157 = arith.constant 262144 : i32
    %mul3A_158 = arith.muli %add3A_156, %mul3A_157 : i32
    %mul3A_159 = arith.constant 65536 : i32
    %mul3A_160 = arith.muli %select_n3A_7, %mul3A_159 : i32
    %add3A_161 = arith.addi %mul3A_158, %mul3A_160 : i32
    "tpu.region"() ({
      %run_scoped3A = tpu.sem_alloc : memref<!tpu.dma_semaphore, #tpu.memory_space<semaphore_mem>>
      %dma_start3A = arith.constant 0 : i32
      %dma_start3A_233 = tpu.memref_slice %arg6[%dma_start3A] : memref<65552xi32, #tpu.memory_space<vmem>> -> memref<65536xi32, #tpu.memory_space<vmem>>
      %dma_start3A_234 = tpu.memref_slice %arg2[%add3A_161] : memref<4194304xi32, #tpu.memory_space<hbm>> -> memref<65536xi32, #tpu.memory_space<hbm>>
      %dma_start3A_235 = arith.constant 0 : i32
      %dma_start3A_236 = tpu.memref_slice %arg6[%dma_start3A_235] : memref<65552xi32, #tpu.memory_space<vmem>> -> memref<65536xi32, #tpu.memory_space<vmem>>
      %dma_start3A_237 = tpu.memref_slice %arg2[%add3A_161] : memref<4194304xi32, #tpu.memory_space<hbm>> -> memref<65536xi32, #tpu.memory_space<hbm>>
      tpu.enqueue_dma source(%dma_start3A_237 : memref<65536xi32, #tpu.memory_space<hbm>>) target(%dma_start3A_236 : memref<65536xi32, #tpu.memory_space<vmem>>) target_semaphore(%run_scoped3A : memref<!tpu.dma_semaphore, #tpu.memory_space<semaphore_mem>>)
      %dma_wait3A = arith.constant 0 : i32
      %dma_wait3A_238 = tpu.memref_slice %arg6[%dma_wait3A] : memref<65552xi32, #tpu.memory_space<vmem>> -> memref<65536xi32, #tpu.memory_space<vmem>>
      %dma_wait3A_239 = tpu.memref_slice %arg2[%add3A_161] : memref<4194304xi32, #tpu.memory_space<hbm>> -> memref<65536xi32, #tpu.memory_space<hbm>>
      %dma_wait3A_240 = arith.constant 0 : i32
      %dma_wait3A_241 = tpu.memref_slice %arg6[%dma_wait3A_240] : memref<65552xi32, #tpu.memory_space<vmem>> -> memref<65536xi32, #tpu.memory_space<vmem>>
      %dma_wait3A_242 = tpu.memref_slice %arg2[%add3A_161] : memref<4194304xi32, #tpu.memory_space<hbm>> -> memref<65536xi32, #tpu.memory_space<hbm>>
      tpu.wait_dma2 semaphore(%run_scoped3A : memref<!tpu.dma_semaphore, #tpu.memory_space<semaphore_mem>>) src(%dma_wait3A_242 : memref<65536xi32, #tpu.memory_space<hbm>>) dst(%dma_wait3A_241 : memref<65536xi32, #tpu.memory_space<vmem>>)
      tpu.yield
    }) : () -> ()
    %mul3A_162 = arith.constant 1024 : i32
    %mul3A_163 = arith.muli %add3A_156, %mul3A_162 : i32
    "tpu.region"() ({
      %run_scoped3A = tpu.sem_alloc : memref<!tpu.dma_semaphore, #tpu.memory_space<semaphore_mem>>
      %dma_start3A = tpu.memref_slice %arg3[%mul3A_163] : memref<16384xi32, #tpu.memory_space<hbm>> -> memref<16xi32, #tpu.memory_space<hbm>>
      %dma_start3A_233 = tpu.memref_slice %arg3[%mul3A_163] : memref<16384xi32, #tpu.memory_space<hbm>> -> memref<16xi32, #tpu.memory_space<hbm>>
      tpu.enqueue_dma source(%dma_start3A_233 : memref<16xi32, #tpu.memory_space<hbm>>) target(%arg7 : memref<16xi32, #tpu.memory_space<vmem>>) target_semaphore(%run_scoped3A : memref<!tpu.dma_semaphore, #tpu.memory_space<semaphore_mem>>)
      %dma_wait3A = tpu.memref_slice %arg3[%mul3A_163] : memref<16384xi32, #tpu.memory_space<hbm>> -> memref<16xi32, #tpu.memory_space<hbm>>
      %dma_wait3A_234 = tpu.memref_slice %arg3[%mul3A_163] : memref<16384xi32, #tpu.memory_space<hbm>> -> memref<16xi32, #tpu.memory_space<hbm>>
      tpu.wait_dma2 semaphore(%run_scoped3A : memref<!tpu.dma_semaphore, #tpu.memory_space<semaphore_mem>>) src(%dma_wait3A_234 : memref<16xi32, #tpu.memory_space<hbm>>) dst(%arg7 : memref<16xi32, #tpu.memory_space<vmem>>)
      tpu.yield
    }) : () -> ()
    %get3A_164 = arith.constant 0 : index
    %get3A_165 = tpu.vector_load %arg7[%get3A_164] {strides = array<i32>} : memref<16xi32, #tpu.memory_space<vmem>>, vector<16xi32>,
    %shift_right_arithmetic3A_166 = arith.constant 1 : i32
    %shift_right_arithmetic3A_167 = vector.broadcast %shift_right_arithmetic3A_166 : i32 to vector<16xi32>
    %shift_right_arithmetic3A_168 = arith.shrsi %get3A_165, %shift_right_arithmetic3A_167 : vector<16xi32>
    %max3A_169 = arith.constant 1 : i32
    %max3A_170 = vector.broadcast %max3A_169 : i32 to vector<16xi32>
    %max3A_171 = arith.maxsi %max3A_170, %shift_right_arithmetic3A_168 : vector<16xi32>
    %scan3A_172 = arith.constant 0 : i32
    %scan3A_173 = arith.constant 15 : i32
    %scan3A_174 = arith.addi %scan3A_172, %scan3A_173 : i32
    %scan3A_175 = arith.constant 1 : i32
    %scan3A_176:2 = scf.for %scan3A_233 = %scan3A_172 to %scan3A_174 step %scan3A_175 iter_args(%scan3A_234 = %broadcast_in_dim3A_30, %scan3A_235 = %broadcast_in_dim3A_30) -> (vector<16xi32>, vector<16xi32>)  : i32 {
      %sub3A_236 = arith.constant 29 : i32
      %sub3A_237 = arith.subi %sub3A_236, %scan3A_233 : i32
      %shift_left3A = arith.constant 1 : i32
      %shift_left3A_238 = arith.shli %shift_left3A, %sub3A_237 : i32
      %or3A = vector.broadcast %shift_left3A_238 : i32 to vector<16xi32>
      %or3A_239 = arith.ori %scan3A_234, %or3A : vector<16xi32>
      %parallel_loop3A = arith.constant 0 : i32
      %parallel_loop3A_240 = arith.constant 4096 : i32
      %parallel_loop3A_241 = arith.constant 1 : i32
      %parallel_loop3A_242 = scf.for %parallel_loop3A_301 = %parallel_loop3A to %parallel_loop3A_240 step %parallel_loop3A_241 iter_args(%parallel_loop3A_302 = %broadcast_in_dim3A_30) -> (vector<16xi32>)  : i32 {
        %parallel_loop3A_303 = arith.constant 16 : i32
        %parallel_loop3A_304 = arith.muli %parallel_loop3A_301, %parallel_loop3A_303 : i32
        %parallel_loop3A_305 = arith.index_cast %parallel_loop3A_304 : i32 to index
        %parallel_loop3A_306 = tpu.vector_load %arg6[%parallel_loop3A_305] {strides = array<i32>} : memref<65552xi32, #tpu.memory_space<vmem>>, vector<16xi32>,
        %parallel_loop3A_307 = arith.cmpi slt, %parallel_loop3A_306, %or3A_239 : vector<16xi32>
        %parallel_loop3A_308 = arith.constant 1 : i32
        %parallel_loop3A_309 = arith.constant 0 : i32
        %parallel_loop3A_310 = vector.broadcast %parallel_loop3A_308 : i32 to vector<16xi32>
        %parallel_loop3A_311 = vector.broadcast %parallel_loop3A_309 : i32 to vector<16xi32>
        %parallel_loop3A_312 = arith.select %parallel_loop3A_307, %parallel_loop3A_310, %parallel_loop3A_311 : vector<16xi1>, vector<16xi32>
        %parallel_loop3A_313 = arith.addi %parallel_loop3A_302, %parallel_loop3A_312 : vector<16xi32>
        scf.yield %parallel_loop3A_313 : vector<16xi32>
      } {sc.loop_unroll_factor = 8 : i64, sc.parallel_access}
      %reduce_sum3A = arith.constant true
      %reduce_sum3A_243 = vector.broadcast %reduce_sum3A : i1 to vector<16xi1>
      %reduce_sum3A_244 = tpu.scan <sum>, %parallel_loop3A_242 masked %reduce_sum3A_243 : vector<16xi32>, vector<16xi1> -> vector<16xi32>
      %reduce_sum3A_245 = vector.extract %reduce_sum3A_244[15] : i32 from vector<16xi32>
      %broadcast_in_dim3A_246 = vector.broadcast %reduce_sum3A_245 : i32 to vector<16xi32>
      %jit3A_247 = arith.constant 2 : i32
      %eq3A_248 = arith.constant 0 : i32
      %eq3A_249 = arith.cmpi eq, %jit3A_247, %eq3A_248 : i32
      %jit3A_250 = arith.constant 1 : i32
      %select_n3A_251 = arith.select %eq3A_249, %jit3A_250, %jit3A_247 : i32
      %rem3A_252 = arith.remsi %scan3A_233, %select_n3A_251 : i32
      %ne3A_253 = arith.constant 0 : i32
      %ne3A_254 = arith.cmpi ne, %rem3A_252, %ne3A_253 : i32
      %lt3A_255 = arith.constant 0 : i32
      %lt3A_256 = arith.cmpi slt, %rem3A_252, %lt3A_255 : i32
      %lt3A_257 = arith.constant 0 : i32
      %lt3A_258 = arith.cmpi slt, %select_n3A_251, %lt3A_257 : i32
      %ne3A_259 = arith.xori %lt3A_256, %lt3A_258 : i1
      %and3A_260 = arith.andi %ne3A_259, %ne3A_254 : i1
      %add3A_261 = arith.addi %rem3A_252, %select_n3A_251 : i32
      %select_n3A_262 = arith.select %and3A_260, %add3A_261, %rem3A_252 : i32
      %swap3A_263 = arith.constant 0 : index
      %swap3A_264 = tpu.vector_load %arg7[%swap3A_263] {strides = array<i32>} : memref<16xi32, #tpu.memory_space<vmem>>, vector<16xi32>,
      tpu.vector_store %arg7[%swap3A_263], %broadcast_in_dim3A_246 {strides = array<i32>} : memref<16xi32, #tpu.memory_space<vmem>>, vector<16xi32>,
      %mul3A_265 = arith.constant 32 : i32
      %mul3A_266 = arith.muli %select_n3A_262, %mul3A_265 : i32
      %mul3A_267 = arith.constant 16 : i32
      %mul3A_268 = arith.muli %arg0, %mul3A_267 : i32
      %add3A_269 = arith.addi %mul3A_266, %mul3A_268 : i32
      %add3A_270 = arith.addi %add3A_269, %arg1 : i32
      "tpu.region"() ({
        %run_scoped3A = tpu.sem_alloc : memref<!tpu.dma_semaphore, #tpu.memory_space<semaphore_mem>>
        %dma_start3A = arith.constant 0 : i32
        %dma_start3A_301 = tpu.memref_slice %arg5[%add3A_270, %dma_start3A] : memref<64x16xi32, #tpu.memory_space<hbm>> -> memref<1x16xi32, #tpu.memory_space<hbm>>
        %dma_start3A_302 = tpu.memref_squeeze %dma_start3A_301 : memref<1x16xi32, #tpu.memory_space<hbm>> -> memref<16xi32, #tpu.memory_space<hbm>>
        %dma_start3A_303 = arith.constant 0 : i32
        %dma_start3A_304 = tpu.memref_slice %arg5[%add3A_270, %dma_start3A_303] : memref<64x16xi32, #tpu.memory_space<hbm>> -> memref<1x16xi32, #tpu.memory_space<hbm>>
        %dma_start3A_305 = tpu.memref_squeeze %dma_start3A_304 : memref<1x16xi32, #tpu.memory_space<hbm>> -> memref<16xi32, #tpu.memory_space<hbm>>
        tpu.enqueue_dma source(%arg7 : memref<16xi32, #tpu.memory_space<vmem>>) target(%dma_start3A_305 : memref<16xi32, #tpu.memory_space<hbm>>) target_semaphore(%run_scoped3A : memref<!tpu.dma_semaphore, #tpu.memory_space<semaphore_mem>>)
        %dma_wait3A = arith.constant 0 : i32
        %dma_wait3A_306 = tpu.memref_slice %arg5[%add3A_270, %dma_wait3A] : memref<64x16xi32, #tpu.memory_space<hbm>> -> memref<1x16xi32, #tpu.memory_space<hbm>>
        %dma_wait3A_307 = tpu.memref_squeeze %dma_wait3A_306 : memref<1x16xi32, #tpu.memory_space<hbm>> -> memref<16xi32, #tpu.memory_space<hbm>>
        %dma_wait3A_308 = arith.constant 0 : i32
        %dma_wait3A_309 = tpu.memref_slice %arg5[%add3A_270, %dma_wait3A_308] : memref<64x16xi32, #tpu.memory_space<hbm>> -> memref<1x16xi32, #tpu.memory_space<hbm>>
        %dma_wait3A_310 = tpu.memref_squeeze %dma_wait3A_309 : memref<1x16xi32, #tpu.memory_space<hbm>> -> memref<16xi32, #tpu.memory_space<hbm>>
        tpu.wait_dma2 semaphore(%run_scoped3A : memref<!tpu.dma_semaphore, #tpu.memory_space<semaphore_mem>>) src(%arg7 : memref<16xi32, #tpu.memory_space<vmem>>) dst(%dma_wait3A_310 : memref<16xi32, #tpu.memory_space<hbm>>)
        tpu.yield
      }) : () -> ()
      %barrier3A = arith.constant 0 : index
      tpu.barrier barrier_id(%barrier3A)
      %mul3A_271 = arith.constant 32 : i32
      %mul3A_272 = arith.muli %select_n3A_262, %mul3A_271 : i32
      %mul3A_273 = arith.constant 16 : i32
      %mul3A_274 = arith.muli %arg0, %mul3A_273 : i32
      %add3A_275 = arith.addi %mul3A_272, %mul3A_274 : i32
      %add3A_276 = arith.addi %add3A_275, %mul3A_29 : i32
      "tpu.region"() ({
        %run_scoped3A = tpu.sem_alloc : memref<!tpu.dma_semaphore, #tpu.memory_space<semaphore_mem>>
        %dma_start3A = arith.constant 0 : i32
        %dma_start3A_301 = tpu.memref_slice %arg5[%add3A_276, %dma_start3A] : memref<64x16xi32, #tpu.memory_space<hbm>> -> memref<4x16xi32, #tpu.memory_space<hbm>>
        %dma_start3A_302 = arith.constant 0 : i32
        %dma_start3A_303 = tpu.memref_slice %arg5[%add3A_276, %dma_start3A_302] : memref<64x16xi32, #tpu.memory_space<hbm>> -> memref<4x16xi32, #tpu.memory_space<hbm>>
        tpu.enqueue_dma source(%dma_start3A_303 : memref<4x16xi32, #tpu.memory_space<hbm>>) target(%arg8 : memref<4x16xi32, #tpu.memory_space<vmem>>) target_semaphore(%run_scoped3A : memref<!tpu.dma_semaphore, #tpu.memory_space<semaphore_mem>>)
        %dma_wait3A = arith.constant 0 : i32
        %dma_wait3A_304 = tpu.memref_slice %arg5[%add3A_276, %dma_wait3A] : memref<64x16xi32, #tpu.memory_space<hbm>> -> memref<4x16xi32, #tpu.memory_space<hbm>>
        %dma_wait3A_305 = arith.constant 0 : i32
        %dma_wait3A_306 = tpu.memref_slice %arg5[%add3A_276, %dma_wait3A_305] : memref<64x16xi32, #tpu.memory_space<hbm>> -> memref<4x16xi32, #tpu.memory_space<hbm>>
        tpu.wait_dma2 semaphore(%run_scoped3A : memref<!tpu.dma_semaphore, #tpu.memory_space<semaphore_mem>>) src(%dma_wait3A_306 : memref<4x16xi32, #tpu.memory_space<hbm>>) dst(%arg8 : memref<4x16xi32, #tpu.memory_space<vmem>>)
        tpu.yield
      }) : () -> ()
      %get3A_277 = arith.constant 0 : i32
      %get3A_278 = arith.index_cast %get3A_277 : i32 to index
      %get3A_279 = arith.constant 0 : index
      %get3A_280 = tpu.vector_load %arg8[%get3A_278, %get3A_279] {strides = array<i32>} : memref<4x16xi32, #tpu.memory_space<vmem>>, vector<16xi32>,
      %get3A_281 = arith.constant 1 : i32
      %get3A_282 = arith.index_cast %get3A_281 : i32 to index
      %get3A_283 = arith.constant 0 : index
      %get3A_284 = tpu.vector_load %arg8[%get3A_282, %get3A_283] {strides = array<i32>} : memref<4x16xi32, #tpu.memory_space<vmem>>, vector<16xi32>,
      %add3A_285 = arith.addi %get3A_280, %get3A_284 : vector<16xi32>
      %get3A_286 = arith.constant 2 : i32
      %get3A_287 = arith.index_cast %get3A_286 : i32 to index
      %get3A_288 = arith.constant 0 : index
      %get3A_289 = tpu.vector_load %arg8[%get3A_287, %get3A_288] {strides = array<i32>} : memref<4x16xi32, #tpu.memory_space<vmem>>, vector<16xi32>,
      %add3A_290 = arith.addi %add3A_285, %get3A_289 : vector<16xi32>
      %get3A_291 = arith.constant 3 : i32
      %get3A_292 = arith.index_cast %get3A_291 : i32 to index
      %get3A_293 = arith.constant 0 : index
      %get3A_294 = tpu.vector_load %arg8[%get3A_292, %get3A_293] {strides = array<i32>} : memref<4x16xi32, #tpu.memory_space<vmem>>, vector<16xi32>,
      %add3A_295 = arith.addi %add3A_290, %get3A_294 : vector<16xi32>
      %sub3A_296 = arith.constant 1 : i32
      %sub3A_297 = vector.broadcast %sub3A_296 : i32 to vector<16xi32>
      %sub3A_298 = arith.subi %max3A_171, %sub3A_297 : vector<16xi32>
      %le3A = arith.cmpi sle, %add3A_295, %sub3A_298 : vector<16xi32>
      %select_n3A_299 = arith.select %le3A, %or3A_239, %scan3A_234 : vector<16xi1>, vector<16xi32>
      %select_n3A_300 = arith.select %le3A, %add3A_295, %scan3A_235 : vector<16xi1>, vector<16xi32>
      scf.yield %select_n3A_299, %select_n3A_300 : vector<16xi32>, vector<16xi32>
    }
    %scan3A_177 = arith.constant 15 : i32
    %sub3A_178 = arith.subi %max3A_171, %scan3A_176#1 : vector<16xi32>
    %add3A_179 = arith.constant 32768 : i32
    %add3A_180 = vector.broadcast %add3A_179 : i32 to vector<16xi32>
    %add3A_181 = arith.addi %scan3A_176#0, %add3A_180 : vector<16xi32>
    %scan3A_182 = arith.constant 0 : i32
    %scan3A_183 = arith.constant 0 : i32
    %scan3A_184 = arith.constant 1024 : i32
    %scan3A_185 = arith.addi %scan3A_183, %scan3A_184 : i32
    %scan3A_186 = arith.constant 1 : i32
    %scan3A_187 = scf.for %scan3A_233 = %scan3A_183 to %scan3A_185 step %scan3A_186 iter_args(%scan3A_234 = %scan3A_182) -> (i32)  : i32 {
      %mul3A_235 = arith.constant 4 : i32
      %mul3A_236 = arith.muli %scan3A_233, %mul3A_235 : i32
      %add3A_237 = arith.constant 0 : i32
      %add3A_238 = arith.addi %mul3A_236, %add3A_237 : i32
      %mul3A_239 = arith.constant 16 : i32
      %mul3A_240 = arith.muli %add3A_238, %mul3A_239 : i32
      %get3A_241 = arith.index_cast %mul3A_240 : i32 to index
      %get3A_242 = tpu.vector_load %arg6[%get3A_241] {strides = array<i32>} : memref<65552xi32, #tpu.memory_space<vmem>>, vector<16xi32>,
      %ge3A = arith.cmpi sge, %get3A_242, %scan3A_176#0 : vector<16xi32>
      %lt3A_243 = arith.cmpi slt, %get3A_242, %add3A_181 : vector<16xi32>
      %and3A_244 = arith.andi %ge3A, %lt3A_243 : vector<16xi1>
      %swap3A_245 = arith.index_cast %scan3A_234 : i32 to index
      %swap3A_246 = tpu.vector_load %arg6[%swap3A_245] masked %and3A_244 {strides = array<i32>} : memref<65552xi32, #tpu.memory_space<vmem>>, vector<16xi32>, vector<16xi1>
      tpu.vector_store %arg6[%swap3A_245], %get3A_242 masked %and3A_244 {strides = array<i32>} : memref<65552xi32, #tpu.memory_space<vmem>>, vector<16xi32>, vector<16xi1>
      %all_reduce_population_count3A = tpu.all_reduce %and3A_244 {dim = 0 : i64, kind = #tpu.reduction_kind<sum>} : vector<16xi1> -> vector<16xi32>
      %slice3A = vector.extract_strided_slice %all_reduce_population_count3A {offsets = [0], sizes = [1], strides = [1]} : vector<16xi32> to vector<1xi32>
      %squeeze3A = vector.extract %slice3A[0] : i32 from vector<1xi32>
      %add3A_247 = arith.addi %scan3A_234, %squeeze3A : i32
      %mul3A_248 = arith.constant 4 : i32
      %mul3A_249 = arith.muli %scan3A_233, %mul3A_248 : i32
      %add3A_250 = arith.constant 1 : i32
      %add3A_251 = arith.addi %mul3A_249, %add3A_250 : i32
      %mul3A_252 = arith.constant 16 : i32
      %mul3A_253 = arith.muli %add3A_251, %mul3A_252 : i32
      %get3A_254 = arith.index_cast %mul3A_253 : i32 to index
      %get3A_255 = tpu.vector_load %arg6[%get3A_254] {strides = array<i32>} : memref<65552xi32, #tpu.memory_space<vmem>>, vector<16xi32>,
      %ge3A_256 = arith.cmpi sge, %get3A_255, %scan3A_176#0 : vector<16xi32>
      %lt3A_257 = arith.cmpi slt, %get3A_255, %add3A_181 : vector<16xi32>
      %and3A_258 = arith.andi %ge3A_256, %lt3A_257 : vector<16xi1>
      %swap3A_259 = arith.index_cast %add3A_247 : i32 to index
      %swap3A_260 = tpu.vector_load %arg6[%swap3A_259] masked %and3A_258 {strides = array<i32>} : memref<65552xi32, #tpu.memory_space<vmem>>, vector<16xi32>, vector<16xi1>
      tpu.vector_store %arg6[%swap3A_259], %get3A_255 masked %and3A_258 {strides = array<i32>} : memref<65552xi32, #tpu.memory_space<vmem>>, vector<16xi32>, vector<16xi1>
      %all_reduce_population_count3A_261 = tpu.all_reduce %and3A_258 {dim = 0 : i64, kind = #tpu.reduction_kind<sum>} : vector<16xi1> -> vector<16xi32>
      %slice3A_262 = vector.extract_strided_slice %all_reduce_population_count3A_261 {offsets = [0], sizes = [1], strides = [1]} : vector<16xi32> to vector<1xi32>
      %squeeze3A_263 = vector.extract %slice3A_262[0] : i32 from vector<1xi32>
      %add3A_264 = arith.addi %add3A_247, %squeeze3A_263 : i32
      %mul3A_265 = arith.constant 4 : i32
      %mul3A_266 = arith.muli %scan3A_233, %mul3A_265 : i32
      %add3A_267 = arith.constant 2 : i32
      %add3A_268 = arith.addi %mul3A_266, %add3A_267 : i32
      %mul3A_269 = arith.constant 16 : i32
      %mul3A_270 = arith.muli %add3A_268, %mul3A_269 : i32
      %get3A_271 = arith.index_cast %mul3A_270 : i32 to index
      %get3A_272 = tpu.vector_load %arg6[%get3A_271] {strides = array<i32>} : memref<65552xi32, #tpu.memory_space<vmem>>, vector<16xi32>,
      %ge3A_273 = arith.cmpi sge, %get3A_272, %scan3A_176#0 : vector<16xi32>
      %lt3A_274 = arith.cmpi slt, %get3A_272, %add3A_181 : vector<16xi32>
      %and3A_275 = arith.andi %ge3A_273, %lt3A_274 : vector<16xi1>
      %swap3A_276 = arith.index_cast %add3A_264 : i32 to index
      %swap3A_277 = tpu.vector_load %arg6[%swap3A_276] masked %and3A_275 {strides = array<i32>} : memref<65552xi32, #tpu.memory_space<vmem>>, vector<16xi32>, vector<16xi1>
      tpu.vector_store %arg6[%swap3A_276], %get3A_272 masked %and3A_275 {strides = array<i32>} : memref<65552xi32, #tpu.memory_space<vmem>>, vector<16xi32>, vector<16xi1>
      %all_reduce_population_count3A_278 = tpu.all_reduce %and3A_275 {dim = 0 : i64, kind = #tpu.reduction_kind<sum>} : vector<16xi1> -> vector<16xi32>
      %slice3A_279 = vector.extract_strided_slice %all_reduce_population_count3A_278 {offsets = [0], sizes = [1], strides = [1]} : vector<16xi32> to vector<1xi32>
      %squeeze3A_280 = vector.extract %slice3A_279[0] : i32 from vector<1xi32>
      %add3A_281 = arith.addi %add3A_264, %squeeze3A_280 : i32
      %mul3A_282 = arith.constant 4 : i32
      %mul3A_283 = arith.muli %scan3A_233, %mul3A_282 : i32
      %add3A_284 = arith.constant 3 : i32
      %add3A_285 = arith.addi %mul3A_283, %add3A_284 : i32
      %mul3A_286 = arith.constant 16 : i32
      %mul3A_287 = arith.muli %add3A_285, %mul3A_286 : i32
      %get3A_288 = arith.index_cast %mul3A_287 : i32 to index
      %get3A_289 = tpu.vector_load %arg6[%get3A_288] {strides = array<i32>} : memref<65552xi32, #tpu.memory_space<vmem>>, vector<16xi32>,
      %ge3A_290 = arith.cmpi sge, %get3A_289, %scan3A_176#0 : vector<16xi32>
      %lt3A_291 = arith.cmpi slt, %get3A_289, %add3A_181 : vector<16xi32>
      %and3A_292 = arith.andi %ge3A_290, %lt3A_291 : vector<16xi1>
      %swap3A_293 = arith.index_cast %add3A_281 : i32 to index
      %swap3A_294 = tpu.vector_load %arg6[%swap3A_293] masked %and3A_292 {strides = array<i32>} : memref<65552xi32, #tpu.memory_space<vmem>>, vector<16xi32>, vector<16xi1>
      tpu.vector_store %arg6[%swap3A_293], %get3A_289 masked %and3A_292 {strides = array<i32>} : memref<65552xi32, #tpu.memory_space<vmem>>, vector<16xi32>, vector<16xi1>
      %all_reduce_population_count3A_295 = tpu.all_reduce %and3A_292 {dim = 0 : i64, kind = #tpu.reduction_kind<sum>} : vector<16xi1> -> vector<16xi32>
      %slice3A_296 = vector.extract_strided_slice %all_reduce_population_count3A_295 {offsets = [0], sizes = [1], strides = [1]} : vector<16xi32> to vector<1xi32>
      %squeeze3A_297 = vector.extract %slice3A_296[0] : i32 from vector<1xi32>
      %add3A_298 = arith.addi %add3A_281, %squeeze3A_297 : i32
      scf.yield %add3A_298 : i32
    }
    %scan3A_188 = arith.constant 1024 : i32
    %iota3A_189 = tpu.iota {dimensions = array<i32: 0>} : vector<16xi32>
    %add3A_190 = vector.broadcast %scan3A_187 : i32 to vector<16xi32>
    %add3A_191 = arith.addi %add3A_190, %iota3A_189 : vector<16xi32>
    %broadcast_in_dim3A_192 = arith.constant 2147483647 : i32
    %broadcast_in_dim3A_193 = vector.broadcast %broadcast_in_dim3A_192 : i32 to vector<16xi32>
    tpu.vector_store_idx %arg6[%add3A_191], %broadcast_in_dim3A_193 : memref<65552xi32, #tpu.memory_space<vmem>>[vector<16xi32>], vector<16xi32>,
    %add3A_194 = arith.constant 15 : i32
    %add3A_195 = arith.addi %scan3A_187, %add3A_194 : i32
    %jit3A_196 = arith.constant 16 : i32
    %div3A_197 = arith.divsi %add3A_195, %jit3A_196 : i32
    %sign3A_198 = arith.constant 0 : i32
    %sign3A_199 = arith.cmpi sgt, %add3A_195, %sign3A_198 : i32
    %sign3A_200 = arith.extui %sign3A_199 : i1 to i32
    %sign3A_201 = arith.constant 0 : i32
    %sign3A_202 = arith.cmpi slt, %add3A_195, %sign3A_201 : i32
    %sign3A_203 = arith.extui %sign3A_202 : i1 to i32
    %sign3A_204 = arith.subi %sign3A_200, %sign3A_203 : i32
    %sign3A_205 = arith.constant 0 : i32
    %sign3A_206 = arith.cmpi sgt, %jit3A_196, %sign3A_205 : i32
    %sign3A_207 = arith.extui %sign3A_206 : i1 to i32
    %sign3A_208 = arith.constant 0 : i32
    %sign3A_209 = arith.cmpi slt, %jit3A_196, %sign3A_208 : i32
    %sign3A_210 = arith.extui %sign3A_209 : i1 to i32
    %sign3A_211 = arith.subi %sign3A_207, %sign3A_210 : i32
    %ne3A_212 = arith.cmpi ne, %sign3A_204, %sign3A_211 : i32
    %rem3A_213 = arith.remsi %add3A_195, %jit3A_196 : i32
    %ne3A_214 = arith.constant 0 : i32
    %ne3A_215 = arith.cmpi ne, %rem3A_213, %ne3A_214 : i32
    %and3A_216 = arith.andi %ne3A_212, %ne3A_215 : i1
    %sub3A_217 = arith.constant 1 : i32
    %sub3A_218 = arith.subi %div3A_197, %sub3A_217 : i32
    %select_n3A_219 = arith.select %and3A_216, %sub3A_218, %div3A_197 : i32
    %scan3A_220 = arith.constant 0 : i32
    %scan3A_221 = arith.constant 15 : i32
    %scan3A_222 = arith.addi %scan3A_220, %scan3A_221 : i32
    %scan3A_223 = arith.constant 1 : i32
    %scan3A_224 = scf.for %scan3A_233 = %scan3A_220 to %scan3A_222 step %scan3A_223 iter_args(%scan3A_234 = %scan3A_176#0) -> (vector<16xi32>)  : i32 {
      %sub3A_235 = arith.constant 14 : i32
      %sub3A_236 = arith.subi %sub3A_235, %scan3A_233 : i32
      %shift_left3A = arith.constant 1 : i32
      %shift_left3A_237 = arith.shli %shift_left3A, %sub3A_236 : i32
      %or3A = vector.broadcast %shift_left3A_237 : i32 to vector<16xi32>
      %or3A_238 = arith.ori %scan3A_234, %or3A : vector<16xi32>
      %while3A = arith.constant 0 : i32
      %while3A_239 = arith.subi %select_n3A_219, %while3A : i32
      %while3A_240 = arith.addi %while3A, %while3A_239 : i32
      %while3A_241 = arith.constant 1 : i32
      %while3A_242 = arith.divsi %while3A_239, %while3A_241 : i32
      %while3A_243 = arith.muli %while3A_242, %while3A_241 : i32
      %while3A_244 = arith.addi %while3A, %while3A_243 : i32
      %while3A_245 = arith.constant 1 : i32
      %while3A_246 = scf.for %while3A_308 = %while3A to %while3A_244 step %while3A_245 iter_args(%while3A_309 = %broadcast_in_dim3A_30) -> (vector<16xi32>)  : i32 {
        %mul3A_310 = arith.constant 16 : i32
        %mul3A_311 = arith.muli %while3A_308, %mul3A_310 : i32
        %get3A_312 = arith.index_cast %mul3A_311 : i32 to index
        %get3A_313 = tpu.vector_load %arg6[%get3A_312] {strides = array<i32>} : memref<65552xi32, #tpu.memory_space<vmem>>, vector<16xi32>,
        %lt3A_314 = arith.cmpi slt, %get3A_313, %or3A_238 : vector<16xi32>
        %jit3A_315 = arith.constant 1 : i32
        %jit3A_316 = arith.constant 0 : i32
        %broadcast_in_dim3A_317 = vector.broadcast %jit3A_315 : i32 to vector<16xi32>
        %broadcast_in_dim3A_318 = vector.broadcast %jit3A_316 : i32 to vector<16xi32>
        %select_n3A_319 = arith.select %lt3A_314, %broadcast_in_dim3A_317, %broadcast_in_dim3A_318 : vector<16xi1>, vector<16xi32>
        %add3A_320 = arith.addi %while3A_309, %select_n3A_319 : vector<16xi32>
        scf.yield %add3A_320 : vector<16xi32>
      }
      %while3A_247 = arith.constant 1 : i32
      %while3A_248 = scf.for %while3A_308 = %while3A_244 to %while3A_240 step %while3A_247 iter_args(%while3A_309 = %while3A_246) -> (vector<16xi32>)  : i32 {
        %mul3A_310 = arith.constant 16 : i32
        %mul3A_311 = arith.muli %while3A_308, %mul3A_310 : i32
        %get3A_312 = arith.index_cast %mul3A_311 : i32 to index
        %get3A_313 = tpu.vector_load %arg6[%get3A_312] {strides = array<i32>} : memref<65552xi32, #tpu.memory_space<vmem>>, vector<16xi32>,
        %lt3A_314 = arith.cmpi slt, %get3A_313, %or3A_238 : vector<16xi32>
        %jit3A_315 = arith.constant 1 : i32
        %jit3A_316 = arith.constant 0 : i32
        %broadcast_in_dim3A_317 = vector.broadcast %jit3A_315 : i32 to vector<16xi32>
        %broadcast_in_dim3A_318 = vector.broadcast %jit3A_316 : i32 to vector<16xi32>
        %select_n3A_319 = arith.select %lt3A_314, %broadcast_in_dim3A_317, %broadcast_in_dim3A_318 : vector<16xi1>, vector<16xi32>
        %add3A_320 = arith.addi %while3A_309, %select_n3A_319 : vector<16xi32>
        scf.yield %add3A_320 : vector<16xi32>
      }
      %reduce_sum3A = arith.constant true
      %reduce_sum3A_249 = vector.broadcast %reduce_sum3A : i1 to vector<16xi1>
      %reduce_sum3A_250 = tpu.scan <sum>, %while3A_248 masked %reduce_sum3A_249 : vector<16xi32>, vector<16xi1> -> vector<16xi32>
      %reduce_sum3A_251 = vector.extract %reduce_sum3A_250[15] : i32 from vector<16xi32>
      %broadcast_in_dim3A_252 = vector.broadcast %reduce_sum3A_251 : i32 to vector<16xi32>
      %add3A_253 = arith.constant 1 : i32
      %add3A_254 = arith.addi %scan3A_233, %add3A_253 : i32
      %jit3A_255 = arith.constant 2 : i32
      %eq3A_256 = arith.constant 0 : i32
      %eq3A_257 = arith.cmpi eq, %jit3A_255, %eq3A_256 : i32
      %jit3A_258 = arith.constant 1 : i32
      %select_n3A_259 = arith.select %eq3A_257, %jit3A_258, %jit3A_255 : i32
      %rem3A_260 = arith.remsi %add3A_254, %select_n3A_259 : i32
      %ne3A_261 = arith.constant 0 : i32
      %ne3A_262 = arith.cmpi ne, %rem3A_260, %ne3A_261 : i32
      %lt3A_263 = arith.constant 0 : i32
      %lt3A_264 = arith.cmpi slt, %rem3A_260, %lt3A_263 : i32
      %lt3A_265 = arith.constant 0 : i32
      %lt3A_266 = arith.cmpi slt, %select_n3A_259, %lt3A_265 : i32
      %ne3A_267 = arith.xori %lt3A_264, %lt3A_266 : i1
      %and3A_268 = arith.andi %ne3A_267, %ne3A_262 : i1
      %add3A_269 = arith.addi %rem3A_260, %select_n3A_259 : i32
      %select_n3A_270 = arith.select %and3A_268, %add3A_269, %rem3A_260 : i32
      %swap3A_271 = arith.constant 0 : index
      %swap3A_272 = tpu.vector_load %arg7[%swap3A_271] {strides = array<i32>} : memref<16xi32, #tpu.memory_space<vmem>>, vector<16xi32>,
      tpu.vector_store %arg7[%swap3A_271], %broadcast_in_dim3A_252 {strides = array<i32>} : memref<16xi32, #tpu.memory_space<vmem>>, vector<16xi32>,
      %mul3A_273 = arith.constant 32 : i32
      %mul3A_274 = arith.muli %select_n3A_270, %mul3A_273 : i32
      %mul3A_275 = arith.constant 16 : i32
      %mul3A_276 = arith.muli %arg0, %mul3A_275 : i32
      %add3A_277 = arith.addi %mul3A_274, %mul3A_276 : i32
      %add3A_278 = arith.addi %add3A_277, %arg1 : i32
      "tpu.region"() ({
        %run_scoped3A = tpu.sem_alloc : memref<!tpu.dma_semaphore, #tpu.memory_space<semaphore_mem>>
        %dma_start3A = arith.constant 0 : i32
        %dma_start3A_308 = tpu.memref_slice %arg5[%add3A_278, %dma_start3A] : memref<64x16xi32, #tpu.memory_space<hbm>> -> memref<1x16xi32, #tpu.memory_space<hbm>>
        %dma_start3A_309 = tpu.memref_squeeze %dma_start3A_308 : memref<1x16xi32, #tpu.memory_space<hbm>> -> memref<16xi32, #tpu.memory_space<hbm>>
        %dma_start3A_310 = arith.constant 0 : i32
        %dma_start3A_311 = tpu.memref_slice %arg5[%add3A_278, %dma_start3A_310] : memref<64x16xi32, #tpu.memory_space<hbm>> -> memref<1x16xi32, #tpu.memory_space<hbm>>
        %dma_start3A_312 = tpu.memref_squeeze %dma_start3A_311 : memref<1x16xi32, #tpu.memory_space<hbm>> -> memref<16xi32, #tpu.memory_space<hbm>>
        tpu.enqueue_dma source(%arg7 : memref<16xi32, #tpu.memory_space<vmem>>) target(%dma_start3A_312 : memref<16xi32, #tpu.memory_space<hbm>>) target_semaphore(%run_scoped3A : memref<!tpu.dma_semaphore, #tpu.memory_space<semaphore_mem>>)
        %dma_wait3A = arith.constant 0 : i32
        %dma_wait3A_313 = tpu.memref_slice %arg5[%add3A_278, %dma_wait3A] : memref<64x16xi32, #tpu.memory_space<hbm>> -> memref<1x16xi32, #tpu.memory_space<hbm>>
        %dma_wait3A_314 = tpu.memref_squeeze %dma_wait3A_313 : memref<1x16xi32, #tpu.memory_space<hbm>> -> memref<16xi32, #tpu.memory_space<hbm>>
        %dma_wait3A_315 = arith.constant 0 : i32
        %dma_wait3A_316 = tpu.memref_slice %arg5[%add3A_278, %dma_wait3A_315] : memref<64x16xi32, #tpu.memory_space<hbm>> -> memref<1x16xi32, #tpu.memory_space<hbm>>
        %dma_wait3A_317 = tpu.memref_squeeze %dma_wait3A_316 : memref<1x16xi32, #tpu.memory_space<hbm>> -> memref<16xi32, #tpu.memory_space<hbm>>
        tpu.wait_dma2 semaphore(%run_scoped3A : memref<!tpu.dma_semaphore, #tpu.memory_space<semaphore_mem>>) src(%arg7 : memref<16xi32, #tpu.memory_space<vmem>>) dst(%dma_wait3A_317 : memref<16xi32, #tpu.memory_space<hbm>>)
        tpu.yield
      }) : () -> ()
      %barrier3A = arith.constant 0 : index
      tpu.barrier barrier_id(%barrier3A)
      %mul3A_279 = arith.constant 32 : i32
      %mul3A_280 = arith.muli %select_n3A_270, %mul3A_279 : i32
      %mul3A_281 = arith.constant 16 : i32
      %mul3A_282 = arith.muli %arg0, %mul3A_281 : i32
      %add3A_283 = arith.addi %mul3A_280, %mul3A_282 : i32
      %add3A_284 = arith.addi %add3A_283, %mul3A_29 : i32
      "tpu.region"() ({
        %run_scoped3A = tpu.sem_alloc : memref<!tpu.dma_semaphore, #tpu.memory_space<semaphore_mem>>
        %dma_start3A = arith.constant 0 : i32
        %dma_start3A_308 = tpu.memref_slice %arg5[%add3A_284, %dma_start3A] : memref<64x16xi32, #tpu.memory_space<hbm>> -> memref<4x16xi32, #tpu.memory_space<hbm>>
        %dma_start3A_309 = arith.constant 0 : i32
        %dma_start3A_310 = tpu.memref_slice %arg5[%add3A_284, %dma_start3A_309] : memref<64x16xi32, #tpu.memory_space<hbm>> -> memref<4x16xi32, #tpu.memory_space<hbm>>
        tpu.enqueue_dma source(%dma_start3A_310 : memref<4x16xi32, #tpu.memory_space<hbm>>) target(%arg8 : memref<4x16xi32, #tpu.memory_space<vmem>>) target_semaphore(%run_scoped3A : memref<!tpu.dma_semaphore, #tpu.memory_space<semaphore_mem>>)
        %dma_wait3A = arith.constant 0 : i32
        %dma_wait3A_311 = tpu.memref_slice %arg5[%add3A_284, %dma_wait3A] : memref<64x16xi32, #tpu.memory_space<hbm>> -> memref<4x16xi32, #tpu.memory_space<hbm>>
        %dma_wait3A_312 = arith.constant 0 : i32
        %dma_wait3A_313 = tpu.memref_slice %arg5[%add3A_284, %dma_wait3A_312] : memref<64x16xi32, #tpu.memory_space<hbm>> -> memref<4x16xi32, #tpu.memory_space<hbm>>
        tpu.wait_dma2 semaphore(%run_scoped3A : memref<!tpu.dma_semaphore, #tpu.memory_space<semaphore_mem>>) src(%dma_wait3A_313 : memref<4x16xi32, #tpu.memory_space<hbm>>) dst(%arg8 : memref<4x16xi32, #tpu.memory_space<vmem>>)
        tpu.yield
      }) : () -> ()
      %get3A_285 = arith.constant 0 : i32
      %get3A_286 = arith.index_cast %get3A_285 : i32 to index
      %get3A_287 = arith.constant 0 : index
      %get3A_288 = tpu.vector_load %arg8[%get3A_286, %get3A_287] {strides = array<i32>} : memref<4x16xi32, #tpu.memory_space<vmem>>, vector<16xi32>,
      %get3A_289 = arith.constant 1 : i32
      %get3A_290 = arith.index_cast %get3A_289 : i32 to index
      %get3A_291 = arith.constant 0 : index
      %get3A_292 = tpu.vector_load %arg8[%get3A_290, %get3A_291] {strides = array<i32>} : memref<4x16xi32, #tpu.memory_space<vmem>>, vector<16xi32>,
      %add3A_293 = arith.addi %get3A_288, %get3A_292 : vector<16xi32>
      %get3A_294 = arith.constant 2 : i32
      %get3A_295 = arith.index_cast %get3A_294 : i32 to index
      %get3A_296 = arith.constant 0 : index
      %get3A_297 = tpu.vector_load %arg8[%get3A_295, %get3A_296] {strides = array<i32>} : memref<4x16xi32, #tpu.memory_space<vmem>>, vector<16xi32>,
      %add3A_298 = arith.addi %add3A_293, %get3A_297 : vector<16xi32>
      %get3A_299 = arith.constant 3 : i32
      %get3A_300 = arith.index_cast %get3A_299 : i32 to index
      %get3A_301 = arith.constant 0 : index
      %get3A_302 = tpu.vector_load %arg8[%get3A_300, %get3A_301] {strides = array<i32>} : memref<4x16xi32, #tpu.memory_space<vmem>>, vector<16xi32>,
      %add3A_303 = arith.addi %add3A_298, %get3A_302 : vector<16xi32>
      %sub3A_304 = arith.constant 1 : i32
      %sub3A_305 = vector.broadcast %sub3A_304 : i32 to vector<16xi32>
      %sub3A_306 = arith.subi %sub3A_178, %sub3A_305 : vector<16xi32>
      %le3A = arith.cmpi sle, %add3A_303, %sub3A_306 : vector<16xi32>
      %select_n3A_307 = arith.select %le3A, %or3A_238, %scan3A_234 : vector<16xi1>, vector<16xi32>
      scf.yield %select_n3A_307 : vector<16xi32>
    }
    %scan3A_225 = arith.constant 15 : i32
    %swap3A_226 = arith.constant 0 : index
    %swap3A_227 = tpu.vector_load %arg7[%swap3A_226] {strides = array<i32>} : memref<16xi32, #tpu.memory_space<vmem>>, vector<16xi32>,
    tpu.vector_store %arg7[%swap3A_226], %scan3A_224 {strides = array<i32>} : memref<16xi32, #tpu.memory_space<vmem>>, vector<16xi32>,
    %eq3A_228 = arith.constant 0 : i32
    %eq3A_229 = arith.cmpi eq, %select_n3A_7, %eq3A_228 : i32
    %convert_element_type3A_230 = arith.extui %eq3A_229 : i1 to i32
    %cond3A_231 = arith.constant 0 : i32
    %cond3A_232 = arith.cmpi ne, %convert_element_type3A_230, %cond3A_231 : i32
    scf.if %cond3A_232 {
      %mul3A_233 = arith.constant 16 : i32
      %mul3A_234 = arith.muli %add3A_156, %mul3A_233 : i32
      "tpu.region"() ({
        %run_scoped3A = tpu.sem_alloc : memref<!tpu.dma_semaphore, #tpu.memory_space<semaphore_mem>>
        %dma_start3A = tpu.memref_slice %arg4[%mul3A_234] : memref<256xi32, #tpu.memory_space<hbm>> -> memref<16xi32, #tpu.memory_space<hbm>>
        %dma_start3A_235 = tpu.memref_slice %arg4[%mul3A_234] : memref<256xi32, #tpu.memory_space<hbm>> -> memref<16xi32, #tpu.memory_space<hbm>>
        tpu.enqueue_dma source(%arg7 : memref<16xi32, #tpu.memory_space<vmem>>) target(%dma_start3A_235 : memref<16xi32, #tpu.memory_space<hbm>>) target_semaphore(%run_scoped3A : memref<!tpu.dma_semaphore, #tpu.memory_space<semaphore_mem>>)
        %dma_wait3A = tpu.memref_slice %arg4[%mul3A_234] : memref<256xi32, #tpu.memory_space<hbm>> -> memref<16xi32, #tpu.memory_space<hbm>>
        %dma_wait3A_236 = tpu.memref_slice %arg4[%mul3A_234] : memref<256xi32, #tpu.memory_space<hbm>> -> memref<16xi32, #tpu.memory_space<hbm>>
        tpu.wait_dma2 semaphore(%run_scoped3A : memref<!tpu.dma_semaphore, #tpu.memory_space<semaphore_mem>>) src(%arg7 : memref<16xi32, #tpu.memory_space<vmem>>) dst(%dma_wait3A_236 : memref<16xi32, #tpu.memory_space<hbm>>)
        tpu.yield
      }) : () -> ()
    } else {
    }
    return
  }
}

module attributes {stable_mosaic.version = 14 : i64} {
  func.func @_prep_kernel(%arg0: i32, %arg1: memref<1x2x2048x128xf32, #tpu.memory_space<vmem>>, %arg2: memref<1x2048x128xi32, #tpu.memory_space<vmem>>, %arg3: memref<1x2048x128xf32, #tpu.memory_space<vmem>>, %arg4: memref<1x2048x128xi32, #tpu.memory_space<vmem>>, %arg5: memref<1x2048x128xf32, #tpu.memory_space<vmem>>, %arg6: memref<1x8x128xi32, #tpu.memory_space<vmem>>) attributes {dimension_semantics = [#tpu.dimension_semantics<arbitrary>], iteration_bounds = array<i64: 16>, scalar_prefetch = 0 : i64, scratch_operands = 0 : i64, tpu.core_type = #tpu.core_type<tc>, window_params = [{transform_indices = @transform_0, window_bounds = array<i64: 1, 2, 2048, 128>}, {transform_indices = @transform_1, window_bounds = array<i64: 1, 2048, 128>}, {transform_indices = @transform_2, window_bounds = array<i64: 1, 2048, 128>}, {transform_indices = @transform_3, window_bounds = array<i64: 1, 2048, 128>}, {transform_indices = @transform_4, window_bounds = array<i64: 1, 2048, 128>}, {transform_indices = @transform_5, window_bounds = array<i64: 1, 8, 128>}]} {
    %get3A = arith.constant 0 : index
    %get3A_0 = arith.constant 0 : index
    %get3A_1 = arith.constant 0 : index
    %get3A_2 = arith.constant 0 : index
    %get3A_3 = vector.load %arg1[%get3A, %get3A_0, %get3A_1, %get3A_2] : memref<1x2x2048x128xf32, #tpu.memory_space<vmem>>, vector<1x2x2048x128xf32>
    %get3A_4 = vector.shape_cast %get3A_3 : vector<1x2x2048x128xf32> to vector<2x2048x128xf32>
    %slice3A = vector.extract_strided_slice %get3A_4 {offsets = [1, 0, 0], sizes = [1, 2048, 128], strides = [1, 1, 1]} : vector<2x2048x128xf32> to vector<1x2048x128xf32>
    %squeeze3A = vector.shape_cast %slice3A : vector<1x2048x128xf32> to vector<2048x128xf32>
    %slice3A_5 = vector.extract_strided_slice %get3A_4 {offsets = [0, 0, 0], sizes = [1, 2048, 128], strides = [1, 1, 1]} : vector<2x2048x128xf32> to vector<1x2048x128xf32>
    %squeeze3A_6 = vector.shape_cast %slice3A_5 : vector<1x2048x128xf32> to vector<2048x128xf32>
    %sub3A = arith.subf %squeeze3A, %squeeze3A_6 : vector<2048x128xf32>
    %neg3A = arith.constant 0.000000e+00 : f32
    %neg3A_7 = vector.broadcast %neg3A : f32 to vector<2048x128xf32>
    %neg3A_8 = arith.subf %neg3A_7, %sub3A : vector<2048x128xf32>
    %exp3A = math.exp %neg3A_8 : vector<2048x128xf32>
    %add3A = arith.constant 1.000000e+00 : f32
    %add3A_9 = vector.broadcast %add3A : f32 to vector<2048x128xf32>
    %add3A_10 = arith.addf %add3A_9, %exp3A : vector<2048x128xf32>
    %div3A = arith.constant 1.000000e+00 : f32
    %div3A_11 = vector.broadcast %div3A : f32 to vector<2048x128xf32>
    %div3A_12 = arith.divf %div3A_11, %add3A_10 : vector<2048x128xf32>
    %get3A_13 = arith.constant 0 : index
    %get3A_14 = arith.constant 0 : index
    %get3A_15 = arith.constant 0 : index
    %get3A_16 = vector.load %arg2[%get3A_13, %get3A_14, %get3A_15] : memref<1x2048x128xi32, #tpu.memory_space<vmem>>, vector<1x2048x128xi32>
    %get3A_17 = vector.shape_cast %get3A_16 : vector<1x2048x128xi32> to vector<2048x128xi32>
    %eq3A = arith.constant 1 : i32
    %eq3A_18 = vector.broadcast %eq3A : i32 to vector<2048x128xi32>
    %eq3A_19 = arith.cmpi eq, %get3A_17, %eq3A_18 : vector<2048x128xi32>
    %jit3A = arith.constant 1.000000e+00 : f32
    %jit3A_20 = arith.constant 0.000000e+00 : f32
    %broadcast_in_dim3A = vector.broadcast %jit3A : f32 to vector<2048x128xf32>
    %broadcast_in_dim3A_21 = vector.broadcast %jit3A_20 : f32 to vector<2048x128xf32>
    %select_n3A = arith.select %eq3A_19, %broadcast_in_dim3A, %broadcast_in_dim3A_21 : vector<2048x128xi1>, vector<2048x128xf32>
    %get3A_22 = arith.constant 0 : index
    %get3A_23 = arith.constant 0 : index
    %get3A_24 = arith.constant 0 : index
    %get3A_25 = vector.load %arg3[%get3A_22, %get3A_23, %get3A_24] : memref<1x2048x128xf32, #tpu.memory_space<vmem>>, vector<1x2048x128xf32>
    %get3A_26 = vector.shape_cast %get3A_25 : vector<1x2048x128xf32> to vector<2048x128xf32>
    %add3A_27 = arith.addf %select_n3A, %get3A_26 : vector<2048x128xf32>
    %mul3A = arith.mulf %div3A_12, %add3A_27 : vector<2048x128xf32>
    %bitcast_convert_type3A = tpu.bitcast %mul3A : vector<2048x128xf32> -> vector<2048x128xi32>
    %jit3A_28 = arith.constant 2147483647 : i32
    %broadcast_in_dim3A_29 = vector.broadcast %jit3A_28 : i32 to vector<2048x128xi32>
    %select_n3A_30 = arith.select %eq3A_19, %bitcast_convert_type3A, %broadcast_in_dim3A_29 : vector<2048x128xi1>, vector<2048x128xi32>
    %swap3A = arith.constant 0 : index
    %swap3A_31 = arith.constant 0 : index
    %swap3A_32 = arith.constant 0 : index
    %swap3A_33 = vector.load %arg4[%swap3A, %swap3A_31, %swap3A_32] : memref<1x2048x128xi32, #tpu.memory_space<vmem>>, vector<1x2048x128xi32>
    %swap3A_34 = vector.shape_cast %swap3A_33 : vector<1x2048x128xi32> to vector<2048x128xi32>
    %swap3A_35 = vector.shape_cast %select_n3A_30 : vector<2048x128xi32> to vector<1x2048x128xi32>
    tpu.vector_store %arg4[%swap3A, %swap3A_31, %swap3A_32], %swap3A_35 {strides = array<i32>} : memref<1x2048x128xi32, #tpu.memory_space<vmem>>, vector<1x2048x128xi32>,
    %swap3A_36 = arith.constant 0 : index
    %swap3A_37 = arith.constant 0 : index
    %swap3A_38 = arith.constant 0 : index
    %swap3A_39 = vector.load %arg5[%swap3A_36, %swap3A_37, %swap3A_38] : memref<1x2048x128xf32, #tpu.memory_space<vmem>>, vector<1x2048x128xf32>
    %swap3A_40 = vector.shape_cast %swap3A_39 : vector<1x2048x128xf32> to vector<2048x128xf32>
    %swap3A_41 = vector.shape_cast %div3A_12 : vector<2048x128xf32> to vector<1x2048x128xf32>
    tpu.vector_store %arg5[%swap3A_36, %swap3A_37, %swap3A_38], %swap3A_41 {strides = array<i32>} : memref<1x2048x128xf32, #tpu.memory_space<vmem>>, vector<1x2048x128xf32>,
    %convert_element_type3A = arith.extui %eq3A_19 : vector<2048x128xi1> to vector<2048x128xi32>
    %reduce_sum3A = vector.shape_cast %convert_element_type3A : vector<2048x128xi32> to vector<1x2048x128xi32>
    %reduce_sum3A_42 = arith.constant dense<0> : vector<1xi32>
    %reduce_sum3A_43 = vector.multi_reduction <add>, %reduce_sum3A, %reduce_sum3A_42 [1, 2] : vector<1x2048x128xi32> to vector<1xi32>
    %reduce_sum3A_44 = vector.shape_cast %reduce_sum3A_43 : vector<1xi32> to vector<1x1x1xi32>
    %reduce_sum3A_45 = vector.extract %reduce_sum3A_44[0, 0, 0] : i32 from vector<1x1x1xi32>
    %broadcast_in_dim3A_46 = vector.broadcast %reduce_sum3A_45 : i32 to vector<8x128xi32>
    %swap3A_47 = arith.constant 0 : index
    %swap3A_48 = arith.constant 0 : index
    %swap3A_49 = arith.constant 0 : index
    %swap3A_50 = vector.load %arg6[%swap3A_47, %swap3A_48, %swap3A_49] : memref<1x8x128xi32, #tpu.memory_space<vmem>>, vector<1x8x128xi32>
    %swap3A_51 = vector.shape_cast %swap3A_50 : vector<1x8x128xi32> to vector<8x128xi32>
    %swap3A_52 = vector.shape_cast %broadcast_in_dim3A_46 : vector<8x128xi32> to vector<1x8x128xi32>
    tpu.vector_store %arg6[%swap3A_47, %swap3A_48, %swap3A_49], %swap3A_52 {strides = array<i32>} : memref<1x8x128xi32, #tpu.memory_space<vmem>>, vector<1x8x128xi32>,
    return
  }
  func.func @transform_0(%arg0: i32) -> (i32, i32, i32, i32) {
    %c0_i32 = arith.constant 0 : i32
    %c0_i32_0 = arith.constant 0 : i32
    %c0_i32_1 = arith.constant 0 : i32
    %c0_i32_2 = arith.constant 0 : i32
    return %arg0, %c0_i32, %c0_i32_0, %c0_i32_1 : i32, i32, i32, i32
  }
  func.func @transform_1(%arg0: i32) -> (i32, i32, i32) {
    %c0_i32 = arith.constant 0 : i32
    %c0_i32_0 = arith.constant 0 : i32
    %c0_i32_1 = arith.constant 0 : i32
    return %arg0, %c0_i32, %c0_i32_0 : i32, i32, i32
  }
  func.func @transform_2(%arg0: i32) -> (i32, i32, i32) {
    %c0_i32 = arith.constant 0 : i32
    %c0_i32_0 = arith.constant 0 : i32
    %c0_i32_1 = arith.constant 0 : i32
    return %arg0, %c0_i32, %c0_i32_0 : i32, i32, i32
  }
  func.func @transform_3(%arg0: i32) -> (i32, i32, i32) {
    %c0_i32 = arith.constant 0 : i32
    %c0_i32_0 = arith.constant 0 : i32
    %c0_i32_1 = arith.constant 0 : i32
    return %arg0, %c0_i32, %c0_i32_0 : i32, i32, i32
  }
  func.func @transform_4(%arg0: i32) -> (i32, i32, i32) {
    %c0_i32 = arith.constant 0 : i32
    %c0_i32_0 = arith.constant 0 : i32
    %c0_i32_1 = arith.constant 0 : i32
    return %arg0, %c0_i32, %c0_i32_0 : i32, i32, i32
  }
  func.func @transform_5(%arg0: i32) -> (i32, i32, i32) {
    %c0_i32 = arith.constant 0 : i32
    %c0_i32_0 = arith.constant 0 : i32
    %c0_i32_1 = arith.constant 0 : i32
    return %arg0, %c0_i32, %c0_i32_0 : i32, i32, i32
  }
}

module attributes {stable_mosaic.version = 14 : i64} {
  func.func @_dice_kernel(%arg0: i32, %arg1: memref<1x2048x128xi32, #tpu.memory_space<vmem>>, %arg2: memref<1x2048x128xf32, #tpu.memory_space<vmem>>, %arg3: memref<1x1x16xi32, #tpu.memory_space<vmem>>, %arg4: memref<1x8x128xf32, #tpu.memory_space<vmem>>) attributes {dimension_semantics = [#tpu.dimension_semantics<arbitrary>], iteration_bounds = array<i64: 16>, scalar_prefetch = 0 : i64, scratch_operands = 0 : i64, tpu.core_type = #tpu.core_type<tc>, window_params = [{transform_indices = @transform_0, window_bounds = array<i64: 1, 2048, 128>}, {transform_indices = @transform_1, window_bounds = array<i64: 1, 2048, 128>}, {transform_indices = @transform_2, window_bounds = array<i64: 1, 1, 16>}, {transform_indices = @transform_3, window_bounds = array<i64: 1, 8, 128>}]} {
    %get3A = arith.constant 0 : index
    %get3A_0 = arith.constant 0 : index
    %get3A_1 = arith.constant 0 : index
    %get3A_2 = vector.load %arg1[%get3A, %get3A_0, %get3A_1] : memref<1x2048x128xi32, #tpu.memory_space<vmem>>, vector<1x2048x128xi32>
    %get3A_3 = vector.shape_cast %get3A_2 : vector<1x2048x128xi32> to vector<2048x128xi32>
    %get3A_4 = arith.constant 0 : index
    %get3A_5 = arith.constant 0 : index
    %get3A_6 = arith.constant 0 : index
    %get3A_7 = vector.load %arg2[%get3A_4, %get3A_5, %get3A_6] : memref<1x2048x128xf32, #tpu.memory_space<vmem>>, vector<1x2048x128xf32>
    %get3A_8 = vector.shape_cast %get3A_7 : vector<1x2048x128xf32> to vector<2048x128xf32>
    %get3A_9 = arith.constant 0 : index
    %get3A_10 = arith.constant 0 : index
    %get3A_11 = arith.constant 0 : index
    %get3A_12 = vector.load %arg3[%get3A_9, %get3A_10, %get3A_11] : memref<1x1x16xi32, #tpu.memory_space<vmem>>, vector<1x1x1xi32>
    %get3A_13 = vector.extract %get3A_12[0, 0, 0] : i32 from vector<1x1x1xi32>
    %ne3A = arith.constant 2147483647 : i32
    %ne3A_14 = vector.broadcast %ne3A : i32 to vector<2048x128xi32>
    %ne3A_15 = arith.cmpi ne, %get3A_3, %ne3A_14 : vector<2048x128xi32>
    %le3A = vector.broadcast %get3A_13 : i32 to vector<2048x128xi32>
    %le3A_16 = arith.cmpi sle, %get3A_3, %le3A : vector<2048x128xi32>
    %and3A = arith.andi %ne3A_15, %le3A_16 : vector<2048x128xi1>
    %gt3A = vector.broadcast %get3A_13 : i32 to vector<2048x128xi32>
    %gt3A_17 = arith.cmpi sgt, %get3A_3, %gt3A : vector<2048x128xi32>
    %and3A_18 = arith.andi %ne3A_15, %gt3A_17 : vector<2048x128xi1>
    %jit3A = arith.constant 0.000000e+00 : f32
    %broadcast_in_dim3A = vector.broadcast %jit3A : f32 to vector<2048x128xf32>
    %select_n3A = arith.select %and3A, %get3A_8, %broadcast_in_dim3A : vector<2048x128xi1>, vector<2048x128xf32>
    %reduce_sum3A = vector.shape_cast %select_n3A : vector<2048x128xf32> to vector<1x2048x128xf32>
    %reduce_sum3A_19 = arith.constant dense<0.000000e+00> : vector<1xf32>
    %reduce_sum3A_20 = vector.multi_reduction <add>, %reduce_sum3A, %reduce_sum3A_19 [1, 2] : vector<1x2048x128xf32> to vector<1xf32>
    %reduce_sum3A_21 = vector.shape_cast %reduce_sum3A_20 : vector<1xf32> to vector<1x1x1xf32>
    %reduce_sum3A_22 = vector.extract %reduce_sum3A_21[0, 0, 0] : f32 from vector<1x1x1xf32>
    %mul3A = arith.mulf %get3A_8, %get3A_8 : vector<2048x128xf32>
    %reduce_sum3A_23 = vector.shape_cast %mul3A : vector<2048x128xf32> to vector<1x2048x128xf32>
    %reduce_sum3A_24 = arith.constant dense<0.000000e+00> : vector<1xf32>
    %reduce_sum3A_25 = vector.multi_reduction <add>, %reduce_sum3A_23, %reduce_sum3A_24 [1, 2] : vector<1x2048x128xf32> to vector<1xf32>
    %reduce_sum3A_26 = vector.shape_cast %reduce_sum3A_25 : vector<1xf32> to vector<1x1x1xf32>
    %reduce_sum3A_27 = vector.extract %reduce_sum3A_26[0, 0, 0] : f32 from vector<1x1x1xf32>
    %jit3A_28 = arith.constant 0.000000e+00 : f32
    %broadcast_in_dim3A_29 = vector.broadcast %jit3A_28 : f32 to vector<2048x128xf32>
    %select_n3A_30 = arith.select %and3A_18, %mul3A, %broadcast_in_dim3A_29 : vector<2048x128xi1>, vector<2048x128xf32>
    %reduce_sum3A_31 = vector.shape_cast %select_n3A_30 : vector<2048x128xf32> to vector<1x2048x128xf32>
    %reduce_sum3A_32 = arith.constant dense<0.000000e+00> : vector<1xf32>
    %reduce_sum3A_33 = vector.multi_reduction <add>, %reduce_sum3A_31, %reduce_sum3A_32 [1, 2] : vector<1x2048x128xf32> to vector<1xf32>
    %reduce_sum3A_34 = vector.shape_cast %reduce_sum3A_33 : vector<1xf32> to vector<1x1x1xf32>
    %reduce_sum3A_35 = vector.extract %reduce_sum3A_34[0, 0, 0] : f32 from vector<1x1x1xf32>
    %sub3A = arith.subf %reduce_sum3A_27, %reduce_sum3A_35 : f32
    %jit3A_36 = arith.constant 1.000000e+00 : f32
    %jit3A_37 = arith.constant 0.000000e+00 : f32
    %broadcast_in_dim3A_38 = vector.broadcast %jit3A_36 : f32 to vector<2048x128xf32>
    %broadcast_in_dim3A_39 = vector.broadcast %jit3A_37 : f32 to vector<2048x128xf32>
    %select_n3A_40 = arith.select %and3A, %broadcast_in_dim3A_38, %broadcast_in_dim3A_39 : vector<2048x128xi1>, vector<2048x128xf32>
    %reduce_sum3A_41 = vector.shape_cast %select_n3A_40 : vector<2048x128xf32> to vector<1x2048x128xf32>
    %reduce_sum3A_42 = arith.constant dense<0.000000e+00> : vector<1xf32>
    %reduce_sum3A_43 = vector.multi_reduction <add>, %reduce_sum3A_41, %reduce_sum3A_42 [1, 2] : vector<1x2048x128xf32> to vector<1xf32>
    %reduce_sum3A_44 = vector.shape_cast %reduce_sum3A_43 : vector<1xf32> to vector<1x1x1xf32>
    %reduce_sum3A_45 = vector.extract %reduce_sum3A_44[0, 0, 0] : f32 from vector<1x1x1xf32>
    %mul3A_46 = arith.constant 2.000000e+00 : f32
    %mul3A_47 = arith.mulf %mul3A_46, %reduce_sum3A_22 : f32
    %add3A = arith.constant 9.99999974E-6 : f32
    %add3A_48 = arith.addf %mul3A_47, %add3A : f32
    %add3A_49 = arith.addf %sub3A, %reduce_sum3A_45 : f32
    %add3A_50 = arith.constant 9.99999974E-6 : f32
    %add3A_51 = arith.addf %add3A_49, %add3A_50 : f32
    %div3A = arith.divf %add3A_48, %add3A_51 : f32
    %broadcast_in_dim3A_52 = vector.broadcast %div3A : f32 to vector<8x128xf32>
    %swap3A = arith.constant 0 : index
    %swap3A_53 = arith.constant 0 : index
    %swap3A_54 = arith.constant 0 : index
    %swap3A_55 = vector.load %arg4[%swap3A, %swap3A_53, %swap3A_54] : memref<1x8x128xf32, #tpu.memory_space<vmem>>, vector<1x8x128xf32>
    %swap3A_56 = vector.shape_cast %swap3A_55 : vector<1x8x128xf32> to vector<8x128xf32>
    %swap3A_57 = vector.shape_cast %broadcast_in_dim3A_52 : vector<8x128xf32> to vector<1x8x128xf32>
    tpu.vector_store %arg4[%swap3A, %swap3A_53, %swap3A_54], %swap3A_57 {strides = array<i32>} : memref<1x8x128xf32, #tpu.memory_space<vmem>>, vector<1x8x128xf32>,
    return
  }
  func.func @transform_0(%arg0: i32) -> (i32, i32, i32) {
    %c0_i32 = arith.constant 0 : i32
    %c0_i32_0 = arith.constant 0 : i32
    %c0_i32_1 = arith.constant 0 : i32
    return %arg0, %c0_i32, %c0_i32_0 : i32, i32, i32
  }
  func.func @transform_1(%arg0: i32) -> (i32, i32, i32) {
    %c0_i32 = arith.constant 0 : i32
    %c0_i32_0 = arith.constant 0 : i32
    %c0_i32_1 = arith.constant 0 : i32
    return %arg0, %c0_i32, %c0_i32_0 : i32, i32, i32
  }
  func.func @transform_2(%arg0: i32) -> (i32, i32, i32) {
    %c0_i32 = arith.constant 0 : i32
    %c0_i32_0 = arith.constant 0 : i32
    %c0_i32_1 = arith.constant 0 : i32
    return %arg0, %c0_i32, %c0_i32_0 : i32, i32, i32
  }
  func.func @transform_3(%arg0: i32) -> (i32, i32, i32) {
    %c0_i32 = arith.constant 0 : i32
    %c0_i32_0 = arith.constant 0 : i32
    %c0_i32_1 = arith.constant 0 : i32
    return %arg0, %c0_i32, %c0_i32_0 : i32, i32, i32
  }
}

</mosaic_0001>

<sc_bundles>
// kernel: kernel.5.cloned.1.call-start
scs
__scs_entry_jumppad:
0x0: {  	(pc) =	sbr.rel $0x88, $3  }
0x1: {  	(tag) =	ssettag $0x0;
	lr =	simm.s32 $0x1  }
0x2: {  	[smem:$0x3F9F] =	sst lr;
	_ =	strace $0xD0000000  }
0x3: {  	_ = 	snop  }
0x4: {  	_ = 	snop  }
0x5: {  	_ = 	snop  }
0x6: {  	_ = 	snop  }
0x7: {  	_ = 	snop  }
__scs_overlays_trampoline_lowered:
0x8: {  	[smem:$0x3FAE] =	sst s0  }
0x9: {  	[smem:$0x3FAF] =	sst s1  }
0xa: {  	[smem:$0x3FB0] =	sst s2  }
0xb: {  	[smem:$0x3FB1] =	sst s3  }
0xc: {  	[smem:$0x3FB2] =	sst s4  }
0xd: {  	[smem:$0x3FB3] =	sst s5  }
0xe: {  	[smem:$0x3FB4] =	sst s6  }
0xf: {  	[smem:$0x3FB5] =	sst s7  }
0x10: {  	[smem:$0x3FB6] =	sst s8  }
0x11: {  	[smem:$0x3FB7] =	sst s9;
	s0 =	simm.s32 @!p0 $0x0  }
0x12: {  	s1 =	sld [smem:$0x3F9D];
	s0 =	simm.s32 @p0 $0x1  }
0x13: {  	[smem:$0x3FB8] =	sst s0;
	s0 =	simm.s32 @!p1 $0x0  }
0x14: {  	s2 =	sld [smem:$0x3F9C];
	s0 =	simm.s32 @p1 $0x1  }
0x15: {  	[smem:$0x3FB9] =	sst s0;
	s0 =	simm.s32 @!p2 $0x0  }
0x16: {  	s3 =	sld [smem:$0x3FDB];
	s0 =	simm.s32 @p2 $0x1  }
0x17: {  	s4 =	simm.s32 $0x1BF5;
	[smem:$0x3FBB] =	sst s0  }
0x18: {  	s0 =	sld [smem:$0x3F9E];
	_ =	swait.ge [sflag:s4], $0x0  }
0x19: {  	s7 =	sld [smem:$0x3F9F]  }
0x1a: {  	s8 =	sadd.s32 $0xFFFFE003, lr  }
0x1b: {  	s9 =	sadd.s32 $0xFFFFFEF7, lr;
	s5 =	simm.s32 $0xFFFFFFFF;
	p2 =	slt.u32 s8, $0xFFFFF086  }
0x1c: {  	p1 =	slt.u32 s9, $0xF7A;
	s5 =	simm.s32 @!p2 $0x0  }
0x1d: {  	s5 =	simm.s32 @p1 $0x1;
	p0 =	seq.s32 s7, s2  }
0x1e: {  	s7 =	smul.u32 @!p0 $0xF7A, s2;
	p2 =	seq.s32 @!p0 s5, $0x0  }
0x1f: {  	s9 =	smul.u32 $0xF7A, s1;
	s8 =	simm.s32 @!p0 $0x1BF5;
	p2 =	por !p2, p0  }
0x20: {  	[sflag:s8] =	ssyncset.s32 @!p0 $0xFFFFF086;
	s6 =	sadd.s32 @!p0 s3, s7;
	s7 =	simm.s32 @!p0 $0x108  }
0x21: {  	s3 =	sadd.s32 s3, s9;
	s6 =	sadd.s32 @!p0 $0x88, s6;
	s7 =	simm.s32 @p2 $0x1082  }
0x22: {  	[simem:s7], [sflag:s8] =	dma.local @!p0 [hbm:s6], $0xF7A  }
0x23: {  	s9 =	sor.u32 $0xD0000000, s2;
	s6 =	simm.s32 $0x108;
	_ =	swait.ge @!p0 [sflag:s8], $0x0  }
0x24: {  	s3 =	sadd.s32 $0x88, s3;
	s6 =	simm.s32 @!p1 $0x1082;
	[sflag:s4] =	ssyncset.s32 $0xFFFFF086  }
0x25: {  	[simem:s6], [sflag:s4] =	dma.local [hbm:s3], $0xF7A  }
0x26: {  	[smem:$0x3F9F] =	sst s1;
	(tag) =	ssettag s2;
	_ =	strace s9  }
0x27: {  	s1 =	sld [smem:$0x3FAF]  }
0x28: {  	s2 =	sld [smem:$0x3FB0]  }
0x29: {  	s4 =	sld [smem:$0x3FB2]  }
0x2a: {  	p0 =	seq.s32 s5, $0x0;
	s5 =	sld [smem:$0x3FB3]  }
0x2b: {  	s6 =	sld [smem:$0x3FB4]  }
0x2c: {  	s7 =	sld [smem:$0x3FB5]  }
0x2d: {  	s3 =	simm.s32 $0x108;
	s8 =	sld [smem:$0x3FB6]  }
0x2e: {  	s3 =	simm.s32 @!p0 $0x1082;
	s9 =	sld [smem:$0x3FB7]  }
0x2f: {  	lr =	sadd.s32 s0, s3;
	s0 =	sld [smem:$0x3FAE]  }
0x30: {  	s3 =	sld [smem:$0x3FB1]  }
0x31: {  	[smem:$0x3FBA] =	sst s10  }
0x32: {  	s10 =	sld [smem:$0x3FB8];
	_ =	sdelay $0x3  }
0x33: {  	p0 =	seq.s32 s10, $0x1;
	s10 =	sld [smem:$0x3FBA];
	_ =	sdelay $0x3  }
0x34: {  	[smem:$0x3FBA] =	sst s10  }
0x35: {  	s10 =	sld [smem:$0x3FB9];
	_ =	sdelay $0x3  }
0x36: {  	p1 =	seq.s32 s10, $0x1;
	s10 =	sld [smem:$0x3FBA];
	_ =	sdelay $0x3  }
0x37: {  	[smem:$0x3FBA] =	sst s10  }
0x38: {  	s10 =	sld [smem:$0x3FBB]  }
0x39: {  	_ = 	snop;
	(pc) =	sbr.ind lr, $3  }
0x3a: {  	_ = 	snop  }
0x3b: {  	_ = 	snop  }
0x3c: {  	p2 =	seq.s32 s10, $0x1;
	s10 =	sld [smem:$0x3FBA]  }
0x3d: {  	_ =	shalt  }
0x3e: {  	_ =	shalt  }
0x3f: {  	_ =	shalt  }
0x40: {  	_ =	shalt  }
0x41: {  	_ =	shalt  }
0x42: {  	_ =	shalt  }
0x43: {  	_ =	shalt  }
0x44: {  	_ =	shalt  }
0x45: {  	_ =	shalt  }
0x46: {  	_ =	shalt  }
0x47: {  	_ =	shalt  }
0x48: {  	_ =	shalt  }
0x49: {  	_ =	shalt  }
0x4a: {  	_ =	shalt  }
0x4b: {  	_ =	shalt  }
0x4c: {  	_ =	shalt  }
0x4d: {  	_ =	shalt  }
0x4e: {  	_ =	shalt  }
0x4f: {  	_ =	shalt  }
0x50: {  	_ =	shalt  }
0x51: {  	_ =	shalt  }
0x52: {  	_ =	shalt  }
0x53: {  	_ =	shalt  }
0x54: {  	_ =	shalt  }
0x55: {  	_ =	shalt  }
0x56: {  	_ =	shalt  }
0x57: {  	_ =	shalt  }
0x58: {  	_ =	shalt  }
0x59: {  	_ =	shalt  }
0x5a: {  	_ =	shalt  }
0x5b: {  	_ =	shalt  }
0x5c: {  	_ =	shalt  }
0x5d: {  	_ =	shalt  }
0x5e: {  	_ =	shalt  }
0x5f: {  	_ =	shalt  }
0x60: {  	_ =	shalt  }
0x61: {  	_ =	shalt  }
0x62: {  	_ =	shalt  }
0x63: {  	_ =	shalt  }
0x64: {  	_ =	shalt  }
0x65: {  	_ =	shalt  }
0x66: {  	_ =	shalt  }
0x67: {  	_ =	shalt  }
0x68: {  	_ =	shalt  }
0x69: {  	_ =	shalt  }
0x6a: {  	_ =	shalt  }
0x6b: {  	_ =	shalt  }
0x6c: {  	_ =	shalt  }
0x6d: {  	_ =	shalt  }
0x6e: {  	_ =	shalt  }
0x6f: {  	_ =	shalt  }
0x70: {  	_ =	shalt  }
0x71: {  	_ =	shalt  }
0x72: {  	_ =	shalt  }
0x73: {  	_ =	shalt  }
0x74: {  	_ =	shalt  }
0x75: {  	_ =	shalt  }
0x76: {  	_ =	shalt  }
0x77: {  	_ =	shalt  }
0x78: {  	_ =	shalt  }
0x79: {  	_ =	shalt  }
0x7a: {  	_ =	shalt  }
0x7b: {  	_ =	shalt  }
0x7c: {  	_ =	shalt  }
0x7d: {  	_ =	shalt  }
0x7e: {  	_ =	shalt  }
0x7f: {  	_ =	shalt  }
0x80: {  	_ =	shalt  }
0x81: {  	_ =	shalt  }
0x82: {  	_ =	shalt  }
0x83: {  	_ =	shalt  }
0x84: {  	_ =	shalt  }
0x85: {  	_ =	shalt  }
0x86: {  	_ =	shalt  }
0x87: {  	_ =	shalt  }
.Lfunc_end0:
.L_simem_size_0:
called_computation_lowered:
.L_overlay_start_0:
0x88: {  	s2 =	sld [smem:$0x3FD9]  }
0x89: {  	s3 =	sld [smem:$0x3FFE];
	_ =	sdelay $0x1  }
0x8a: {  	s1 =	srdreg.scid  }
0x8b: {  	s0 =	sand.u32 $0x1, s1  }
0x8c: {  	s16 =	sshll.u32 s0, $0xA;
	s2 =	sadd.s32 s3, s2  }
0x8d: {  	s2 =	sadd.s32 s2, s16  }
0x8e: {  	[smem:$0x3FC6] =	sst s2  }
0x8f: {  	_ = 	snop  }
0x90: {  	(tm) =	ssettm $0x1  }
0x91: {  	s17 =	sld [smem:$0x3FFB];
	_ =	sdelay $0x3  }
0x92: {  	_ =	strace s17  }
0x93: {  	s2 =	sld [smem:$0x3FFC];
	_ =	sdelay $0x3  }
0x94: {  	_ =	strace s2  }
0x95: {  	s2 =	sld [smem:$0x3FFD];
	_ =	sdelay $0x3  }
0x96: {  	_ =	strace s2  }
0x97: {  	_ =	strace $0x8FFFFFFF  }
0x98: {  	s18 =	sld [smem:$0x3FDB];
	_ =	sdelay $0x1  }
0x99: {  	s19 =	simm.s32 $_scs_section_size  }
0x9a: {  	s4 =	simm.s32 $_size__tile_overlayer_lowered;
	s5 =	simm.s32 $_tile_overlayer_lowered  }
0x9b: {  	s22 =	simm.s32 $0x1BFF;
	s21 =	sshll.u32 s5, $0x1;
	s2 =	sadd.s32 s19, s18  }
0x9c: {  	s6 =	simm.s32 $0x0;
	s20 =	sshll.u32 s4, $0x1;
	s4 =	sadd.s32 s21, s2  }
0x9d: {  	[timem:s6], [sflag:s22] =	dma.local [hbm:s4], s20  }
0x9e: {  	_ =	swait.ge [sflag:s22], s20  }
0x9f: {  	s3 =	ssub.s32 $0x0, s20;
	[sflag:s22] =	ssyncset.done $0x0  }
0xa0: {  	[sflag:s22] =	ssyncadd.s32 s3;
	_ =	sdelay $0x1  }
0xa1: {  	s23 =	simm.s32 $0x1B8B  }
0xa2: {  	_ =	swait.ge [sflag:s23], $0x1  }
0xa3: {  	[sflag:s23] =	ssyncset.done $0x0  }
0xa4: {  	s25 =	simm.s32 $0x1B8E;
	s24 =	sld [smem:$0x3FFE];
	[sflag:s23] =	ssyncadd.s32 $0xFFFFFFFF  }
0xa5: {  	s26 =	simm.s32 $execute0_lowered;
	[smem:$0x3FD2] =	sst s25  }
0xa6: {  	s4 =	sshll.u32 s26, $0x1;
	_ =	strace $0x80000046;
	[dreg:$0x1] =	wrdreg $0xFFFFFFFF  }
0xa7: {  	s28 =	simm.s32 $_size_execute0_lowered;
	s2 =	sadd.s32 s2, s4;
	[dreg:$0x0] =	wrdreg $0x0  }
0xa8: {  	s4 =	sshll.u32 s28, $0x1;
	[dreg:$0x2] =	wrdreg s2  }
0xa9: {  	[dreg:$0x3] =	wrdreg s4  }
0xaa: {  	[dreg:$0x4] =	wrdreg $0xC0  }
0xab: {  	_ =	task [dreg:s6], $0x5FFFF  }
0xac: {  	[dreg:$0x1] =	wrdreg $0xFFFFFFFF  }
0xad: {  	[dreg:$0x0] =	wrdreg $0x60  }
0xae: {  	[dreg:$0x2] =	wrdreg s24  }
0xaf: {  	[dreg:$0x3] =	wrdreg $0x9  }
0xb0: {  	_ =	task.clear_ibuf [dreg:s6], $0x4FFFF;
	_ =	strace $0x90000046  }
0xb1: {  	s29 =	simm.s32 $0x9;
	_ =	strace $0x80000048  }
0xb2: {  	_ =	swait.ge [sflag:s29], $0x1  }
0xb3: {  	[sflag:s29] =	ssyncadd.s32 $0xFFFFFFFF  }
0xb4: {  	_ =	strace $0x90000048  }
0xb5: {  	_ =	sfence  }
0xb6: {  	s30 =	sld [smem:$0x0];
	_ =	sdelay $0x2  }
0xb7: {  	s31 =	sshll.u32 s1, $0xD;
	s1 =	sshrl.u32 s1, $0x2  }
0xb8: {  	s3 =	sand.u32 $0x4000, s31;
	s1 =	sadd.s32 s1, s30  }
0xb9: {  	s0 =	sor.u32 s3, s0;
	s1 =	sshll.u32 s1, $0x11  }
0xba: {  	s0 =	sor.u32 s1, s0  }
0xbb: {  	s0 =	sadd.s32 $0x8F2B, s0  }
0xbc: {  	[sflag:s0] =	ssyncadd.remote.s32 $0x1  }
0xbd: {  	_ =	sfence.sel $0xFFFF  }
0xbe: {  	[dreg:$0x0] =	wrdreg $0xFFFFFFFF;
	(pc) =	sbr.abs _section_cstart, $3  }
0xbf: {  	[dreg:$0x1] =	wrdreg $0xFFFFFFFF  }
0xc0: {  	_ =	task.clear_ibuf [dreg:s6], $0x2FFFF;
	_ =	strace $0x9FFFFFFF  }
0xc1: {  	(tm) =	ssettm $0x7FFFFFFF  }
tec
execute0_lowered:
.L_overlay_start_1:
0x0: {  	(tag) =	ssettag $0x1  }
0x1: {  	s3 =	rddreg [dreg:$0x0]  }
0x2: {  	s0 =	rddreg [dreg:$0x1]  }
0x3: {  	s1 =	simm.s32 $0x0;
	s4 =	srdreg.scid;
	s2 =	stileid.u32  }
0x4: {  	[smem:$0x7FF] =	sst s1;
	s8 =	sadd.s32 $0xE00, s3;
	s9 =	sadd.s32 $0x80E00, s3  }
0x5: {  	s5 =	sand.u32 $0x1, s4;
	s10 =	sadd.s32 $0x81A00, s3;
	s23 =	sshrl.u32 s2, $0x2  }
0x6: {  	s18 =	sand.u32 $0x3, s2;
	s13 =	sadd.s32 $0x81600, s3;
	s28 =	sshll.u32 s2, $0x4  }
0x7: {  	_ =	strace $0x80000047;
	s6 =	sshll.u32 s5, $0x2;
	s7 =	ssub.s32 $0x2, s5  }
0x8: {  	s11 =	sshll.u32 s18, $0x10;
	s29 =	sand.u32 $0x70, s28;
	s15 =	sshll.u32 s5, $0x4  }
0x9: {  	p0 =	sne.s32 s18, $0x0;
	s18 =	simm.s32 $0x0;
	s6 =	sor.u32 s23, s6  }
0xa: {  	s24 =	sshrl.u32 s7, $0x1;
	s5 =	sadd.s32 s13, s29;
	s12 =	sshll.u32 s6, $0x12  }
0xb: {  	s14 =	ssub.s32 s7, s24;
	s26 =	sshll.u32 s6, $0x7;
	s30 =	sor.u32 $0x8, s6  }
0xc: {  	s7 =	sand.u32 $0x40, s28;
	s16 =	sshll.u32 s6, $0x1;
	s25 =	sor.u32 s11, s12  }
0xd: {  	s4 =	sadd.s32 s9, s26;
	s17 =	sshll.u32 s30, $0x12;
	s6 =	sadd.s32 s13, s7  }
0xe: {  	s7 =	sadd.s32 s10, s16;
	s31 =	sshll.u32 s30, $0x7;
	s12 =	sshll.u32 s30, $0x1  }
.Ltmp0:
0xf: {  	s13 =	simm.s32 $0x1;
	s16 =	simm.s32 $0x10100;
	(pc) =	sbr.rel .LBB2_1-.Ltmp0, $4  }
0x10: {  	s3 =	sshrl.u32 s25, $0x3;
	s11 =	sor.u32 s11, s17;
	s9 =	sadd.s32 s9, s31  }
0x11: {  	s10 =	sadd.s32 s10, s12;
	s12 =	sor.u32 s15, s2;
	s15 =	simm.s32 $0x20000000  }
0x12: {  	s17 =	simm.s32 $0x4000;
	s3 =	sadd.s32 s8, s3;
	s11 =	sshrl.u32 s11, $0x3  }
0x13: {  	v0 =	vimm.s32 $0x0;
	v1 =	vlaneseq.u32;
	v2 =	vimm.s32 $0x7FFFFFFF;
	s8 =	sadd.s32 s8, s11;
	s11 =	smax.u32 s14, $0x1;
	s14 =	simm.s32 $0x10080  }
.LBB2_25:
0x14: {  	[tilespmem:$0x10080] =	vst v3;
	s19 =	simm.s32 @!p0 $0x0;
	s20 =	simm.s32 @!p0 $0x10080;
	s18 =	sadd.s32 $0x1, s18  }
0x15: {  	[hbm4b:s10+s19] =	stream.linear.scatter @!p0 [tilespmem:s20], [sflag:$0x1], $0x10, $0x38;
	[tilespmem:$0x10300] =	vst v63  }
0x16: {  	p1 =	sne.s32 s18, s11  }
.Ltmp1:
0x17: {  	_ = 	snop;
	(pc) =	sbr.rel @!p1 .LBB2_26-.Ltmp1, $4  }
0x18: {  	s19 =	simm.s32 @!p0 $0x1  }
0x19: {  	_ =	swait.ge @!p0 [sflag:s19], $0x10  }
0x1a: {  	[sflag:s19] =	ssyncset.done @!p0 $0x0  }
0x1b: {  	[sflag:s19] =	ssyncadd.s32 @!p0 $0xFFFFFFF0  }
.LBB2_1:
0x1c: {  	[tilespmem:s1], [sflag:$0x1] =	stream.linear.gather [hbm4b:s3+s1], $0x10000, $0x38;
	[tilespmem:$0x10300] =	vst v63  }
0x1d: {  	_ =	swait.ge [sflag:s13], $0x10000  }
0x1e: {  	[sflag:s13] =	ssyncset.done $0x0  }
0x1f: {  	[sflag:s13] =	ssyncadd.s32 $0xFFFF0000  }
0x20: {  	[tilespmem:s14], [sflag:$0x1] =	stream.linear.gather [hbm4b:s4+s1], $0x10, $0x38;
	[tilespmem:$0x10300] =	vst v63  }
0x21: {  	_ =	swait.ge [sflag:s13], $0x10  }
0x22: {  	[sflag:s13] =	ssyncset.done $0x0  }
0x23: {  	[sflag:s13] =	ssyncadd.s32 $0xFFFFFFF0  }
0x24: {  	v3 =	vld [tilespmem:$0x10080];
	_ =	sdelay $0x4  }
0x25: {  	v3 =	vshra.s32 v3, $0x1  }
0x26: {  	vm0 =	vgt.s32 v3, $0x1  }
0x27: {  	v5 =	vimm.s32 $0x0;
	s20 =	simm.s32 $0x0;
	v4 =	vnsel vm0, $0x1, v3;
	v3 =	vimm.s32 $0x0  }
.LBB2_2:
0x28: {  	s21 =	simm.s32 $0x40  }
0x29: {  	v8 =	vld [tilespmem:s21+$0xFFFFFFC0]  }
0x2a: {  	v10 =	vld [tilespmem:s21+$0xFFFFFFD0]  }
0x2b: {  	v11 =	vld [tilespmem:s21+$0xFFFFFFE0]  }
0x2c: {  	s19 =	sshrl.u32 s15, s20;
	v9 =	vld [tilespmem:s21+$0xFFFFFFF0]  }
0x2d: {  	v6 =	vor.u32 s19, v3;
	v7 =	vld [tilespmem:s21+$0x0]  }
0x2e: {  	vm0 =	vlt.s32 v8, v6;
	v8 =	vld [tilespmem:s21+$0x10]  }
0x2f: {  	v12 =	vimm.s32 $0x0;
	v13 =	vsel vm0, $0x1, v0;
	vm0 =	vlt.s32 v10, v6;
	v10 =	vld [tilespmem:s21+$0x20]  }
0x30: {  	s19 =	simm.s32 $0x0;
	v12 =	vadd.s32 v13, v12;
	v13 =	vsel vm0, $0x1, v0;
	vm0 =	vlt.s32 v11, v6;
	v11 =	vld [tilespmem:s21+$0x30];
	s21 =	simm.s32 $0xC0  }
.LBB2_3:
0x31: {  	v14 =	vld [tilespmem:s21+$0xFFFFFFC0];
	s19 =	sadd.s32 $0x8, s19;
	v12 =	vadd.s32 v13, v12;
	v13 =	vsel vm0, $0x1, v0;
	vm0 =	vlt.s32 v9, v6  }
0x32: {  	v15 =	vld [tilespmem:s21+$0xFFFFFFD0];
	p1 =	slt.u32 s19, $0xFF8;
	v9 =	vadd.s32 v13, v12;
	v12 =	vsel vm0, $0x1, v0;
	vm0 =	vlt.s32 v7, v6  }
0x33: {  	v16 =	vld [tilespmem:s21+$0xFFFFFFE0];
	v7 =	vadd.s32 v12, v9;
	v12 =	vsel vm0, $0x1, v0;
	vm0 =	vlt.s32 v8, v6  }
.Ltmp2:
0x34: {  	v9 =	vld [tilespmem:s21+$0xFFFFFFF0];
	v8 =	vadd.s32 v12, v7;
	v12 =	vsel vm0, $0x1, v0;
	vm0 =	vlt.s32 v10, v6;
	(pc) =	sbr.rel @p1 .LBB2_3-.Ltmp2, $4  }
0x35: {  	v7 =	vld [tilespmem:s21+$0x0];
	v10 =	vadd.s32 v12, v8;
	v12 =	vsel vm0, $0x1, v0;
	vm0 =	vlt.s32 v11, v6  }
0x36: {  	vm1 =	vlt.s32 v14, v6;
	v8 =	vld [tilespmem:s21+$0x10];
	v11 =	vadd.s32 v12, v10;
	v12 =	vsel vm0, $0x1, v0  }
0x37: {  	v13 =	vsel vm1, $0x1, v0;
	vm0 =	vlt.s32 v15, v6;
	v10 =	vld [tilespmem:s21+$0x20];
	v11 =	vadd.s32 v12, v11  }
0x38: {  	v12 =	vadd.s32 v13, v11;
	v13 =	vsel vm0, $0x1, v0;
	vm0 =	vlt.s32 v16, v6;
	v11 =	vld [tilespmem:s21+$0x30];
	s21 =	sadd.s32 $0x80, s21  }
0x39: {  	v12 =	vadd.s32 v13, v12;
	v55 =	vsel vm0, $0x1, v0;
	vm10 =	vlt.s32 v9, v6  }
0x3a: {  	v56 =	vadd.s32 v55, v12;
	v57 =	vsel vm10, $0x1, v0;
	vm11 =	vlt.s32 v7, v6  }
0x3b: {  	v7 =	vadd.s32 v57, v56;
	v58 =	vsel vm11, $0x1, v0;
	vm12 =	vlt.s32 v8, v6  }
0x3c: {  	v7 =	vadd.s32 v58, v7;
	v8 =	vsel vm12, $0x1, v0;
	vm13 =	vlt.s32 v10, v6  }
0x3d: {  	v7 =	vadd.s32 v8, v7;
	v59 =	vsel vm13, $0x1, v0;
	vm14 =	vlt.s32 v11, v6  }
0x3e: {  	v7 =	vadd.s32 v59, v7;
	v60 =	vsel vm14, $0x1, v0  }
0x3f: {  	v7 =	vadd.s32 v60, v7  }
0x40: {  	(xrf0) =	vadd.scan.msk.s32 $0xffff, v7;
	_ =	sdelay $0x5  }
0x41: {  	s19 =	sshll.u32 s12, $0x4;
	s21 =	sshll.u32 s20, $0x9;
	v7, _, _ =	vpop (xrf0)  }
0x42: {  	s21 =	sor.u32 s19, s21;
	v7 =	vbroadcast v7, $0xF  }
0x43: {  	s21 =	sand.u32 $0x380, s21  }
0x44: {  	s22 =	sadd.s32 s21, s5;
	[tilespmem:$0x10080] =	vst v7  }
0x45: {  	[hbm4b:s22+s1] =	stream.linear.scatter [tilespmem:s14], [sflag:$0x1], $0x80, $0x38;
	[tilespmem:$0x10300] =	vst v63  }
0x46: {  	_ =	swait.ge [sflag:s13], $0x80  }
0x47: {  	[sflag:s13] =	ssyncset.done $0x0  }
0x48: {  	[sflag:s13] =	ssyncadd.s32 $0xFFFFFF80  }
0x49: {  	s21 =	sadd.s32 s21, s6;
	[bflag:$0x0] =	sbarrier.arrive $0xFFFF  }
0x4a: {  	[tilespmem:s16], [sflag:$0x1] =	stream.linear.gather [hbm4b:s21+s1], $0x200, $0x38;
	[tilespmem:$0x10300] =	vst v63  }
0x4b: {  	_ =	swait.ge [sflag:s13], $0x200  }
0x4c: {  	[sflag:s13] =	ssyncset.done $0x0  }
0x4d: {  	[sflag:s13] =	ssyncadd.s32 $0xFFFFFE00  }
0x4e: {  	v7 =	vld [tilespmem:$0x10100]  }
0x4f: {  	v61 =	vld [tilespmem:$0x10180]  }
0x50: {  	v62 =	vld [tilespmem:$0x10200]  }
0x51: {  	v63 =	vld [tilespmem:$0x10280]  }
0x52: {  	s20 =	sadd.s32 $0x1, s20  }
0x53: {  	p1 =	sne.s32 s20, $0xF  }
.Ltmp3:
0x54: {  	v7 =	vadd.s32 v7, v61;
	(pc) =	sbr.rel @p1 .LBB2_2-.Ltmp3, $4  }
0x55: {  	v7 =	vadd.s32 v62, v7  }
0x56: {  	v7 =	vadd.s32 v63, v7  }
0x57: {  	vm15 =	vlt.s32 v7, v4  }
0x58: {  	v3 =	vsel vm15, v6, v3;
	v5 =	vsel vm15, v7, v5  }
0x59: {  	s20 =	simm.s32 $0x0  }
0x5a: {  	v7 =	vld [tilespmem:s20+$0x0];
	_ =	sdelay $0x3  }
0x5b: {  	v6 =	vadd.s32 $0x8000, v3  }
0x5c: {  	vm0 =	vge.s32 v7, v3;
	vm1 =	vlt.s32 v7, v6  }
0x5d: {  	s21 =	simm.s32 $0x0;
	vm0 =	vmand vm0, vm1  }
0x5e: {  	[tilespmem:s21+$0x0] =	vst.msk vm0, v7;
	v7 =	vmpcnt.ones.xlane vm0  }
0x5f: {  	v8 =	vld [tilespmem:s20+$0x10]  }
0x60: {  	(v2sf) =	vpush v7, $0x0;
	_ =	sdelay $0x3  }
0x61: {  	vm0 =	vge.s32 v8, v3;
	vm1 =	vlt.s32 v8, v6  }
0x62: {  	vm0 =	vmand vm0, vm1  }
0x63: {  	v7 =	vmpcnt.ones.xlane vm0;
	_ =	sdelay $0x1  }
0x64: {  	(v2sf) =	vpush v7, $0x0;
	_ =	sdelay $0x6  }
0x65: {  	s30 =	spop (v2sf)  }
0x66: {  	s21 =	sadd.s32 $0x0, s30  }
0x67: {  	[tilespmem:s21+$0x0] =	vst.msk vm0, v8  }
0x68: {  	v7 =	vld [tilespmem:s20+$0x20];
	_ =	sdelay $0x4  }
0x69: {  	vm0 =	vge.s32 v7, v3;
	vm1 =	vlt.s32 v7, v6;
	s22 =	spop (v2sf)  }
0x6a: {  	s21 =	sadd.s32 s21, s22;
	vm0 =	vmand vm0, vm1  }
0x6b: {  	[tilespmem:s21+$0x0] =	vst.msk vm0, v7;
	v7 =	vmpcnt.ones.xlane vm0  }
0x6c: {  	v8 =	vld [tilespmem:s20+$0x30]  }
0x6d: {  	(v2sf) =	vpush v7, $0x0;
	_ =	sdelay $0x3  }
0x6e: {  	vm0 =	vge.s32 v8, v3;
	vm1 =	vlt.s32 v8, v6  }
0x6f: {  	vm0 =	vmand vm0, vm1  }
0x70: {  	v7 =	vmpcnt.ones.xlane vm0;
	_ =	sdelay $0x1  }
0x71: {  	(v2sf) =	vpush v7, $0x0;
	_ =	sdelay $0x6  }
0x72: {  	s31 =	spop (v2sf)  }
0x73: {  	s23 =	sadd.s32 s21, s31  }
0x74: {  	s21 =	simm.s32 $0x40;
	[tilespmem:s23+$0x0] =	vst.msk vm0, v8  }
0x75: {  	v7 =	vld [tilespmem:s21+$0x0];
	_ =	sdelay $0x4  }
0x76: {  	s20 =	simm.s32 $0x200;
	vm0 =	vge.s32 v7, v3;
	vm1 =	vlt.s32 v7, v6;
	s22 =	spop (v2sf)  }
.LBB2_6:
0x77: {  	p1 =	sne.s32 s20, $0x3FF00  }
0x78: {  	vm0 =	vmand vm0, vm1;
	s23 =	sadd.s32 s23, s22;
	s22 =	smov.u32 s20;
	s20 =	sadd.s32 $0x100, s20  }
0x79: {  	[tilespmem:s23+$0x0] =	vst.msk vm0, v7;
	v7 =	vmpcnt.ones.xlane vm0  }
0x7a: {  	v8 =	vld [tilespmem:s21+$0x10]  }
0x7b: {  	(v2sf) =	vpush v7, $0x0;
	_ =	sdelay $0x3  }
0x7c: {  	vm0 =	vge.s32 v8, v3;
	vm1 =	vlt.s32 v8, v6  }
0x7d: {  	vm0 =	vmand vm0, vm1  }
0x7e: {  	v7 =	vmpcnt.ones.xlane vm0;
	_ =	sdelay $0x1  }
0x7f: {  	(v2sf) =	vpush v7, $0x0;
	_ =	sdelay $0x6  }
0x80: {  	s24 =	spop (v2sf)  }
0x81: {  	s23 =	sadd.s32 s23, s24  }
0x82: {  	[tilespmem:s23+$0x0] =	vst.msk vm0, v8  }
0x83: {  	v7 =	vld [tilespmem:s21+$0x20];
	_ =	sdelay $0x4  }
0x84: {  	vm0 =	vge.s32 v7, v3;
	vm1 =	vlt.s32 v7, v6;
	s24 =	spop (v2sf)  }
0x85: {  	s23 =	sadd.s32 s23, s24;
	vm0 =	vmand vm0, vm1  }
0x86: {  	[tilespmem:s23+$0x0] =	vst.msk vm0, v7;
	v7 =	vmpcnt.ones.xlane vm0  }
0x87: {  	v8 =	vld [tilespmem:s21+$0x30]  }
0x88: {  	(v2sf) =	vpush v7, $0x0;
	_ =	sdelay $0x3  }
0x89: {  	vm0 =	vge.s32 v8, v3;
	vm1 =	vlt.s32 v8, v6  }
0x8a: {  	vm0 =	vmand vm0, vm1  }
0x8b: {  	v7 =	vmpcnt.ones.xlane vm0;
	_ =	sdelay $0x1  }
0x8c: {  	(v2sf) =	vpush v7, $0x0;
	_ =	sdelay $0x6  }
0x8d: {  	s21 =	spop (v2sf)  }
0x8e: {  	s23 =	sadd.s32 s23, s21  }
0x8f: {  	s21 =	sshra.s32 s22, $0x2;
	[tilespmem:s23+$0x0] =	vst.msk vm0, v8  }
0x90: {  	v7 =	vld [tilespmem:s21+$0x0]  }
.Ltmp4:
0x91: {  	(pc) =	sbr.rel @p1 .LBB2_6-.Ltmp4, $2  }
0x92: {  	_ =	sdelay $0x2  }
0x93: {  	vm0 =	vge.s32 v7, v3;
	vm1 =	vlt.s32 v7, v6;
	s22 =	spop (v2sf)  }
0x94: {  	vm0 =	vmand vm0, vm1;
	s20 =	sadd.s32 s23, s22  }
0x95: {  	[tilespmem:s20+$0x0] =	vst.msk vm0, v7;
	v7 =	vmpcnt.ones.xlane vm0  }
0x96: {  	v8 =	vld [tilespmem:s21+$0x10]  }
0x97: {  	(v2sf) =	vpush v7, $0x0;
	_ =	sdelay $0x3  }
0x98: {  	vm10 =	vge.s32 v8, v3;
	vm11 =	vlt.s32 v8, v6  }
0x99: {  	vm0 =	vmand vm10, vm11  }
0x9a: {  	v7 =	vmpcnt.ones.xlane vm0;
	_ =	sdelay $0x1  }
0x9b: {  	(v2sf) =	vpush v7, $0x0;
	_ =	sdelay $0x6  }
0x9c: {  	s24 =	spop (v2sf)  }
0x9d: {  	s20 =	sadd.s32 s20, s24  }
0x9e: {  	[tilespmem:s20+$0x0] =	vst.msk vm0, v8  }
0x9f: {  	v7 =	vld [tilespmem:s21+$0x20];
	_ =	sdelay $0x4  }
0xa0: {  	vm12 =	vge.s32 v7, v3;
	vm13 =	vlt.s32 v7, v6;
	s25 =	spop (v2sf)  }
0xa1: {  	s20 =	sadd.s32 s20, s25;
	vm0 =	vmand vm12, vm13  }
0xa2: {  	[tilespmem:s20+$0x0] =	vst.msk vm0, v7  }
0xa3: {  	v7 =	vld [tilespmem:s21+$0x30];
	_ =	sdelay $0x4  }
0xa4: {  	vm14 =	vge.s32 v7, v3;
	vm2 =	vlt.s32 v7, v6  }
0xa5: {  	v6 =	vmpcnt.ones.xlane vm0;
	vm15 =	vmand vm14, vm2  }
0xa6: {  	v63 =	vmpcnt.ones.xlane vm15  }
0xa7: {  	(v2sf) =	vpush v6, $0x0  }
0xa8: {  	(v2sf) =	vpush v63, $0x0;
	_ =	sdelay $0xd  }
0xa9: {  	s26 =	spop (v2sf)  }
0xaa: {  	s20 =	sadd.s32 s20, s26;
	s28 =	spop (v2sf)  }
0xab: {  	s21 =	sadd.s32 s20, s28  }
0xac: {  	s29 =	sadd.s32 $0xF, s21  }
0xad: {  	s30 =	sand.u32 $0xF, s29  }
0xae: {  	v6 =	vadd.s32 s21, v1;
	s31 =	sshra.s32 s29, $0x1F;
	p2 =	slt.s32 s29, $0x1;
	p1 =	sne.s32 s30, $0x0  }
.Ltmp5:
0xaf: {  	s21 =	sshrl.u32 s31, $0x1C;
	p1 =	por !p2, !p1;
	(pc) =	sbr.rel .LBB2_8-.Ltmp5, $4  }
0xb0: {  	s22 =	simm.s32 $0x1;
	s21 =	sadd.s32 s21, s29;
	p1 =	por !p1, !p1  }
0xb1: {  	s21 =	sshra.s32 s21, $0x4;
	s22 =	simm.s32 @!p1 $0x0  }
0xb2: {  	v5 =	vxor.u32 $0xFFFFFFFF, v5;
	[tilespmem:s20+$0x0] =	vst.msk vm15, v7;
	s20 =	simm.s32 $0x0;
	s21 =	ssub.s32 s21, s22  }
0xb3: {  	v4 =	vadd.s32 v5, v4;
	[tilespmem:v6+s20+$0x0] =	vst.idx.msk $0xffff, v2;
	s22 =	simm.s32 $0x0;
	p1 =	slt.s32 s21, $0x1  }
.LBB2_11:
0xb4: {  	v7 =	vsel vm0, $0x1, v0  }
0xb5: {  	v6 =	vadd.s32 v7, v6  }
.LBB2_12:
0xb6: {  	(xrf0) =	vadd.scan.msk.s32 $0xffff, v6;
	_ =	sdelay $0x4  }
0xb7: {  	s22 =	sadd.s32 $0x1, s22  }
0xb8: {  	s23 =	sshll.u32 s22, $0x9;
	v6, _, _ =	vpop (xrf0)  }
0xb9: {  	s23 =	sor.u32 s19, s23;
	v6 =	vbroadcast v6, $0xF  }
0xba: {  	s23 =	sand.u32 $0x380, s23  }
0xbb: {  	s24 =	sadd.s32 s23, s5;
	[tilespmem:$0x10080] =	vst v6  }
0xbc: {  	[hbm4b:s24+s1] =	stream.linear.scatter [tilespmem:s14], [sflag:$0x1], $0x80, $0x38;
	[tilespmem:$0x10300] =	vst v63  }
0xbd: {  	_ =	swait.ge [sflag:s13], $0x80  }
0xbe: {  	[sflag:s13] =	ssyncset.done $0x0  }
0xbf: {  	[sflag:s13] =	ssyncadd.s32 $0xFFFFFF80  }
0xc0: {  	s23 =	sadd.s32 s23, s6;
	[bflag:$0x0] =	sbarrier.arrive $0xFFFF  }
0xc1: {  	[tilespmem:s16], [sflag:$0x1] =	stream.linear.gather [hbm4b:s23+s1], $0x200, $0x38;
	[tilespmem:$0x10300] =	vst v63  }
0xc2: {  	_ =	swait.ge [sflag:s13], $0x200  }
0xc3: {  	[sflag:s13] =	ssyncset.done $0x0  }
0xc4: {  	[sflag:s13] =	ssyncadd.s32 $0xFFFFFE00  }
0xc5: {  	v6 =	vld [tilespmem:$0x10100]  }
0xc6: {  	v7 =	vld [tilespmem:$0x10180]  }
0xc7: {  	v8 =	vld [tilespmem:$0x10200]  }
0xc8: {  	v9 =	vld [tilespmem:$0x10280];
	_ =	sdelay $0x1  }
0xc9: {  	p2 =	sne.s32 s22, $0xF  }
.Ltmp6:
0xca: {  	v6 =	vadd.s32 v6, v7;
	(pc) =	sbr.rel @!p2 .LBB2_13-.Ltmp6, $4  }
0xcb: {  	v6 =	vadd.s32 v8, v6  }
0xcc: {  	v6 =	vadd.s32 v9, v6  }
0xcd: {  	vm0 =	vgt.s32 v6, v4  }
0xce: {  	v3 =	vsel vm0, v3, v5  }
.LBB2_8:
.Ltmp7:
0xcf: {  	(pc) =	sbr.rel @p1 .LBB2_12-.Ltmp7, $3  }
0xd0: {  	_ =	sdelay $0x1  }
0xd1: {  	s23 =	sshrl.u32 s17, s22  }
0xd2: {  	v6 =	vimm.s32 $0x0;
	v5 =	vor.u32 s23, v3  }
0xd3: {  	v7 =	vld [tilespmem:s20+$0x0];
	p2 =	sne.s32 s21, $0x1  }
.Ltmp8:
0xd4: {  	_ = 	snop;
	(pc) =	sbr.rel @!p2 .LBB2_11-.Ltmp8, $2  }
0xd5: {  	_ =	sdelay $0x2  }
0xd6: {  	s23 =	sadd.s32 $0xFFFFFFFF, s21;
	s24 =	sadd.s32 $0x10, s20;
	vm0 =	vlt.s32 v7, v5  }
.LBB2_10:
0xd7: {  	v7 =	vld [tilespmem:s24+$0x0];
	p2 =	sne.s32 s23, $0x1;
	s23 =	sadd.s32 $0xFFFFFFFF, s23;
	v8 =	vsel vm0, $0x1, v0  }
.Ltmp9:
0xd8: {  	v6 =	vadd.s32 v8, v6;
	(pc) =	sbr.rel @p2 .LBB2_10-.Ltmp9, $2  }
0xd9: {  	_ =	sdelay $0x2  }
0xda: {  	s24 =	sadd.s32 $0x10, s24;
	vm0 =	vlt.s32 v7, v5  }
.Ltmp10:
0xdb: {  	_ = 	snop;
	(pc) =	sbr.rel .LBB2_11-.Ltmp10, $1  }
0xdc: {  	_ =	sdelay $0x3  }
.LBB2_13:
0xdd: {  	[tilespmem:$0x10080] =	vst v3;
	s20 =	simm.s32 @!p0 $0x0;
	s21 =	simm.s32 @!p0 $0x10080  }
0xde: {  	[hbm4b:s7+s20] =	stream.linear.scatter @!p0 [tilespmem:s21], [sflag:$0x1], $0x10, $0x38;
	[tilespmem:$0x10300] =	vst v63  }
0xdf: {  	s20 =	simm.s32 @!p0 $0x1  }
0xe0: {  	_ =	swait.ge @!p0 [sflag:s20], $0x10  }
0xe1: {  	[sflag:s20] =	ssyncset.done @!p0 $0x0  }
0xe2: {  	[sflag:s20] =	ssyncadd.s32 @!p0 $0xFFFFFFF0;
	s20 =	simm.s32 $0x0  }
0xe3: {  	[tilespmem:s20], [sflag:$0x1] =	stream.linear.gather [hbm4b:s8+s20], $0x10000, $0x38;
	[tilespmem:$0x10300] =	vst v63  }
0xe4: {  	_ =	swait.ge [sflag:s13], $0x10000  }
0xe5: {  	[sflag:s13] =	ssyncset.done $0x0  }
0xe6: {  	[sflag:s13] =	ssyncadd.s32 $0xFFFF0000  }
0xe7: {  	[tilespmem:s14], [sflag:$0x1] =	stream.linear.gather [hbm4b:s9+s20], $0x10, $0x38;
	[tilespmem:$0x10300] =	vst v63  }
0xe8: {  	_ =	swait.ge [sflag:s13], $0x10  }
0xe9: {  	[sflag:s13] =	ssyncset.done $0x0  }
0xea: {  	[sflag:s13] =	ssyncadd.s32 $0xFFFFFFF0  }
0xeb: {  	v3 =	vld [tilespmem:$0x10080];
	_ =	sdelay $0x4  }
0xec: {  	v3 =	vshra.s32 v3, $0x1  }
0xed: {  	v6 =	vimm.s32 $0x0;
	vm0 =	vgt.s32 v3, $0x1  }
0xee: {  	v5 =	vimm.s32 $0x0;
	v4 =	vnsel vm0, $0x1, v3;
	v3 =	vimm.s32 $0x0  }
.LBB2_14:
0xef: {  	s22 =	simm.s32 $0x40  }
0xf0: {  	v9 =	vld [tilespmem:s22+$0xFFFFFFC0]  }
0xf1: {  	v10 =	vld [tilespmem:s22+$0xFFFFFFD0]  }
0xf2: {  	v12 =	vld [tilespmem:s22+$0xFFFFFFE0]  }
0xf3: {  	s21 =	sshrl.u32 s15, s20;
	v11 =	vld [tilespmem:s22+$0xFFFFFFF0]  }
0xf4: {  	v7 =	vor.u32 s21, v3;
	v8 =	vld [tilespmem:s22+$0x0]  }
0xf5: {  	vm0 =	vlt.s32 v9, v7;
	v9 =	vld [tilespmem:s22+$0x10]  }
0xf6: {  	v13 =	vsel vm0, $0x1, v0;
	vm0 =	vlt.s32 v10, v7;
	v10 =	vld [tilespmem:s22+$0x20]  }
0xf7: {  	s21 =	simm.s32 $0x0;
	v13 =	vadd.s32 v13, v6;
	v14 =	vsel vm0, $0x1, v0;
	vm0 =	vlt.s32 v12, v7;
	v12 =	vld [tilespmem:s22+$0x30];
	s22 =	simm.s32 $0xC0  }
.LBB2_15:
0xf8: {  	v15 =	vld [tilespmem:s22+$0xFFFFFFC0];
	s21 =	sadd.s32 $0x8, s21;
	v13 =	vadd.s32 v14, v13;
	v14 =	vsel vm0, $0x1, v0;
	vm0 =	vlt.s32 v11, v7  }
0xf9: {  	v16 =	vld [tilespmem:s22+$0xFFFFFFD0];
	p1 =	slt.u32 s21, $0xFF8;
	v11 =	vadd.s32 v14, v13;
	v13 =	vsel vm0, $0x1, v0;
	vm0 =	vlt.s32 v8, v7  }
0xfa: {  	v17 =	vld [tilespmem:s22+$0xFFFFFFE0];
	v8 =	vadd.s32 v13, v11;
	v13 =	vsel vm0, $0x1, v0;
	vm0 =	vlt.s32 v9, v7  }
.Ltmp11:
0xfb: {  	v11 =	vld [tilespmem:s22+$0xFFFFFFF0];
	v9 =	vadd.s32 v13, v8;
	v13 =	vsel vm0, $0x1, v0;
	vm0 =	vlt.s32 v10, v7;
	(pc) =	sbr.rel @p1 .LBB2_15-.Ltmp11, $4  }
0xfc: {  	v8 =	vld [tilespmem:s22+$0x0];
	v10 =	vadd.s32 v13, v9;
	v13 =	vsel vm0, $0x1, v0;
	vm0 =	vlt.s32 v12, v7  }
0xfd: {  	vm1 =	vlt.s32 v15, v7;
	v9 =	vld [tilespmem:s22+$0x10];
	v12 =	vadd.s32 v13, v10;
	v13 =	vsel vm0, $0x1, v0  }
0xfe: {  	v14 =	vsel vm1, $0x1, v0;
	vm0 =	vlt.s32 v16, v7;
	v10 =	vld [tilespmem:s22+$0x20];
	v12 =	vadd.s32 v13, v12  }
0xff: {  	v13 =	vadd.s32 v14, v12;
	v14 =	vsel vm0, $0x1, v0;
	vm0 =	vlt.s32 v17, v7;
	v12 =	vld [tilespmem:s22+$0x30];
	s22 =	sadd.s32 $0x80, s22  }
0x100: {  	v13 =	vadd.s32 v14, v13;
	v55 =	vsel vm0, $0x1, v0;
	vm10 =	vlt.s32 v11, v7  }
0x101: {  	v56 =	vadd.s32 v55, v13;
	v57 =	vsel vm10, $0x1, v0;
	vm11 =	vlt.s32 v8, v7  }
0x102: {  	v8 =	vadd.s32 v57, v56;
	v58 =	vsel vm11, $0x1, v0;
	vm12 =	vlt.s32 v9, v7  }
0x103: {  	v8 =	vadd.s32 v58, v8;
	v9 =	vsel vm12, $0x1, v0;
	vm13 =	vlt.s32 v10, v7  }
0x104: {  	v8 =	vadd.s32 v9, v8;
	v59 =	vsel vm13, $0x1, v0;
	vm14 =	vlt.s32 v12, v7  }
0x105: {  	v8 =	vadd.s32 v59, v8;
	v60 =	vsel vm14, $0x1, v0  }
0x106: {  	v8 =	vadd.s32 v60, v8  }
0x107: {  	(xrf0) =	vadd.scan.msk.s32 $0xffff, v8;
	_ =	sdelay $0x5  }
0x108: {  	s21 =	sshll.u32 s20, $0x9;
	v8, _, _ =	vpop (xrf0)  }
0x109: {  	s21 =	sor.u32 s19, s21;
	v8 =	vbroadcast v8, $0xF  }
0x10a: {  	s21 =	sand.u32 $0x380, s21  }
0x10b: {  	s22 =	sadd.s32 s21, s5;
	[tilespmem:$0x10080] =	vst v8  }
0x10c: {  	[hbm4b:s22+s1] =	stream.linear.scatter [tilespmem:s14], [sflag:$0x1], $0x80, $0x38;
	[tilespmem:$0x10300] =	vst v63  }
0x10d: {  	_ =	swait.ge [sflag:s13], $0x80  }
0x10e: {  	[sflag:s13] =	ssyncset.done $0x0  }
0x10f: {  	[sflag:s13] =	ssyncadd.s32 $0xFFFFFF80  }
0x110: {  	s21 =	sadd.s32 s21, s6;
	[bflag:$0x0] =	sbarrier.arrive $0xFFFF  }
0x111: {  	[tilespmem:s16], [sflag:$0x1] =	stream.linear.gather [hbm4b:s21+s1], $0x200, $0x38;
	[tilespmem:$0x10300] =	vst v63  }
0x112: {  	_ =	swait.ge [sflag:s13], $0x200  }
0x113: {  	[sflag:s13] =	ssyncset.done $0x0  }
0x114: {  	[sflag:s13] =	ssyncadd.s32 $0xFFFFFE00  }
0x115: {  	v8 =	vld [tilespmem:$0x10100]  }
0x116: {  	v61 =	vld [tilespmem:$0x10180]  }
0x117: {  	v62 =	vld [tilespmem:$0x10200]  }
0x118: {  	v63 =	vld [tilespmem:$0x10280]  }
0x119: {  	s20 =	sadd.s32 $0x1, s20  }
0x11a: {  	p1 =	sne.s32 s20, $0xF  }
.Ltmp12:
0x11b: {  	v8 =	vadd.s32 v8, v61;
	(pc) =	sbr.rel @p1 .LBB2_14-.Ltmp12, $4  }
0x11c: {  	v8 =	vadd.s32 v62, v8  }
0x11d: {  	v8 =	vadd.s32 v63, v8  }
0x11e: {  	vm15 =	vlt.s32 v8, v4  }
0x11f: {  	v3 =	vsel vm15, v7, v3;
	v5 =	vsel vm15, v8, v5  }
0x120: {  	s20 =	simm.s32 $0x0  }
0x121: {  	v7 =	vld [tilespmem:s20+$0x0];
	_ =	sdelay $0x3  }
0x122: {  	v6 =	vadd.s32 $0x8000, v3  }
0x123: {  	vm0 =	vge.s32 v7, v3;
	vm1 =	vlt.s32 v7, v6  }
0x124: {  	s21 =	simm.s32 $0x0;
	vm0 =	vmand vm0, vm1  }
0x125: {  	[tilespmem:s21+$0x0] =	vst.msk vm0, v7;
	v7 =	vmpcnt.ones.xlane vm0  }
0x126: {  	v8 =	vld [tilespmem:s20+$0x10]  }
0x127: {  	(v2sf) =	vpush v7, $0x0;
	_ =	sdelay $0x3  }
0x128: {  	vm0 =	vge.s32 v8, v3;
	vm1 =	vlt.s32 v8, v6  }
0x129: {  	vm0 =	vmand vm0, vm1  }
0x12a: {  	v7 =	vmpcnt.ones.xlane vm0;
	_ =	sdelay $0x1  }
0x12b: {  	(v2sf) =	vpush v7, $0x0;
	_ =	sdelay $0x6  }
0x12c: {  	s30 =	spop (v2sf)  }
0x12d: {  	s21 =	sadd.s32 $0x0, s30  }
0x12e: {  	[tilespmem:s21+$0x0] =	vst.msk vm0, v8  }
0x12f: {  	v7 =	vld [tilespmem:s20+$0x20];
	_ =	sdelay $0x4  }
0x130: {  	vm0 =	vge.s32 v7, v3;
	vm1 =	vlt.s32 v7, v6;
	s22 =	spop (v2sf)  }
0x131: {  	s21 =	sadd.s32 s21, s22;
	vm0 =	vmand vm0, vm1  }
0x132: {  	[tilespmem:s21+$0x0] =	vst.msk vm0, v7;
	v7 =	vmpcnt.ones.xlane vm0  }
0x133: {  	v8 =	vld [tilespmem:s20+$0x30]  }
0x134: {  	(v2sf) =	vpush v7, $0x0;
	_ =	sdelay $0x3  }
0x135: {  	vm0 =	vge.s32 v8, v3;
	vm1 =	vlt.s32 v8, v6  }
0x136: {  	vm0 =	vmand vm0, vm1  }
0x137: {  	v7 =	vmpcnt.ones.xlane vm0;
	_ =	sdelay $0x1  }
0x138: {  	(v2sf) =	vpush v7, $0x0;
	_ =	sdelay $0x6  }
0x139: {  	s31 =	spop (v2sf)  }
0x13a: {  	s23 =	sadd.s32 s21, s31  }
0x13b: {  	s21 =	simm.s32 $0x40;
	[tilespmem:s23+$0x0] =	vst.msk vm0, v8  }
0x13c: {  	v7 =	vld [tilespmem:s21+$0x0];
	_ =	sdelay $0x4  }
0x13d: {  	s20 =	simm.s32 $0x200;
	vm0 =	vge.s32 v7, v3;
	vm1 =	vlt.s32 v7, v6;
	s22 =	spop (v2sf)  }
.LBB2_18:
0x13e: {  	p1 =	sne.s32 s20, $0x3FF00  }
0x13f: {  	vm0 =	vmand vm0, vm1;
	s23 =	sadd.s32 s23, s22;
	s22 =	smov.u32 s20;
	s20 =	sadd.s32 $0x100, s20  }
0x140: {  	[tilespmem:s23+$0x0] =	vst.msk vm0, v7;
	v7 =	vmpcnt.ones.xlane vm0  }
0x141: {  	v8 =	vld [tilespmem:s21+$0x10]  }
0x142: {  	(v2sf) =	vpush v7, $0x0;
	_ =	sdelay $0x3  }
0x143: {  	vm0 =	vge.s32 v8, v3;
	vm1 =	vlt.s32 v8, v6  }
0x144: {  	vm0 =	vmand vm0, vm1  }
0x145: {  	v7 =	vmpcnt.ones.xlane vm0;
	_ =	sdelay $0x1  }
0x146: {  	(v2sf) =	vpush v7, $0x0;
	_ =	sdelay $0x6  }
0x147: {  	s24 =	spop (v2sf)  }
0x148: {  	s23 =	sadd.s32 s23, s24  }
0x149: {  	[tilespmem:s23+$0x0] =	vst.msk vm0, v8  }
0x14a: {  	v7 =	vld [tilespmem:s21+$0x20];
	_ =	sdelay $0x4  }
0x14b: {  	vm0 =	vge.s32 v7, v3;
	vm1 =	vlt.s32 v7, v6;
	s24 =	spop (v2sf)  }
0x14c: {  	s23 =	sadd.s32 s23, s24;
	vm0 =	vmand vm0, vm1  }
0x14d: {  	[tilespmem:s23+$0x0] =	vst.msk vm0, v7;
	v7 =	vmpcnt.ones.xlane vm0  }
0x14e: {  	v8 =	vld [tilespmem:s21+$0x30]  }
0x14f: {  	(v2sf) =	vpush v7, $0x0;
	_ =	sdelay $0x3  }
0x150: {  	vm0 =	vge.s32 v8, v3;
	vm1 =	vlt.s32 v8, v6  }
0x151: {  	vm0 =	vmand vm0, vm1  }
0x152: {  	v7 =	vmpcnt.ones.xlane vm0;
	_ =	sdelay $0x1  }
0x153: {  	(v2sf) =	vpush v7, $0x0;
	_ =	sdelay $0x6  }
0x154: {  	s21 =	spop (v2sf)  }
0x155: {  	s23 =	sadd.s32 s23, s21  }
0x156: {  	s21 =	sshra.s32 s22, $0x2;
	[tilespmem:s23+$0x0] =	vst.msk vm0, v8  }
0x157: {  	v7 =	vld [tilespmem:s21+$0x0]  }
.Ltmp13:
0x158: {  	(pc) =	sbr.rel @p1 .LBB2_18-.Ltmp13, $2  }
0x159: {  	_ =	sdelay $0x2  }
0x15a: {  	vm0 =	vge.s32 v7, v3;
	vm1 =	vlt.s32 v7, v6;
	s22 =	spop (v2sf)  }
0x15b: {  	vm0 =	vmand vm0, vm1;
	s20 =	sadd.s32 s23, s22  }
0x15c: {  	[tilespmem:s20+$0x0] =	vst.msk vm0, v7;
	v7 =	vmpcnt.ones.xlane vm0  }
0x15d: {  	v8 =	vld [tilespmem:s21+$0x10]  }
0x15e: {  	(v2sf) =	vpush v7, $0x0;
	_ =	sdelay $0x3  }
0x15f: {  	vm10 =	vge.s32 v8, v3;
	vm11 =	vlt.s32 v8, v6  }
0x160: {  	vm0 =	vmand vm10, vm11  }
0x161: {  	v7 =	vmpcnt.ones.xlane vm0;
	_ =	sdelay $0x1  }
0x162: {  	(v2sf) =	vpush v7, $0x0;
	_ =	sdelay $0x6  }
0x163: {  	s24 =	spop (v2sf)  }
0x164: {  	s20 =	sadd.s32 s20, s24  }
0x165: {  	[tilespmem:s20+$0x0] =	vst.msk vm0, v8  }
0x166: {  	v7 =	vld [tilespmem:s21+$0x20];
	_ =	sdelay $0x4  }
0x167: {  	vm12 =	vge.s32 v7, v3;
	vm13 =	vlt.s32 v7, v6;
	s25 =	spop (v2sf)  }
0x168: {  	s20 =	sadd.s32 s20, s25;
	vm0 =	vmand vm12, vm13  }
0x169: {  	[tilespmem:s20+$0x0] =	vst.msk vm0, v7  }
0x16a: {  	v7 =	vld [tilespmem:s21+$0x30];
	_ =	sdelay $0x4  }
0x16b: {  	vm14 =	vge.s32 v7, v3;
	vm2 =	vlt.s32 v7, v6  }
0x16c: {  	v6 =	vmpcnt.ones.xlane vm0;
	vm15 =	vmand vm14, vm2  }
0x16d: {  	v63 =	vmpcnt.ones.xlane vm15  }
0x16e: {  	(v2sf) =	vpush v6, $0x0  }
0x16f: {  	(v2sf) =	vpush v63, $0x0;
	_ =	sdelay $0xd  }
0x170: {  	s26 =	spop (v2sf)  }
0x171: {  	s20 =	sadd.s32 s20, s26;
	s28 =	spop (v2sf)  }
0x172: {  	s21 =	sadd.s32 s20, s28  }
0x173: {  	s29 =	sadd.s32 $0xF, s21  }
0x174: {  	s30 =	sand.u32 $0xF, s29  }
0x175: {  	v6 =	vadd.s32 s21, v1;
	s31 =	sshra.s32 s29, $0x1F;
	p2 =	slt.s32 s29, $0x1;
	p1 =	sne.s32 s30, $0x0  }
.Ltmp14:
0x176: {  	s21 =	sshrl.u32 s31, $0x1C;
	p1 =	por !p2, !p1;
	(pc) =	sbr.rel .LBB2_20-.Ltmp14, $4  }
0x177: {  	s22 =	simm.s32 $0x1;
	s21 =	sadd.s32 s21, s29;
	p1 =	por !p1, !p1  }
0x178: {  	s21 =	sshra.s32 s21, $0x4;
	s22 =	simm.s32 @!p1 $0x0  }
0x179: {  	v5 =	vxor.u32 $0xFFFFFFFF, v5;
	[tilespmem:s20+$0x0] =	vst.msk vm15, v7;
	s20 =	simm.s32 $0x0;
	s21 =	ssub.s32 s21, s22  }
0x17a: {  	v4 =	vadd.s32 v5, v4;
	[tilespmem:v6+s20+$0x0] =	vst.idx.msk $0xffff, v2;
	s22 =	simm.s32 $0x0;
	p1 =	slt.s32 s21, $0x1  }
.LBB2_23:
0x17b: {  	v7 =	vsel vm0, $0x1, v0  }
0x17c: {  	v6 =	vadd.s32 v7, v6  }
.LBB2_24:
0x17d: {  	(xrf0) =	vadd.scan.msk.s32 $0xffff, v6;
	_ =	sdelay $0x4  }
0x17e: {  	s22 =	sadd.s32 $0x1, s22  }
0x17f: {  	s23 =	sshll.u32 s22, $0x9;
	v6, _, _ =	vpop (xrf0)  }
0x180: {  	s23 =	sor.u32 s19, s23;
	v6 =	vbroadcast v6, $0xF  }
0x181: {  	s23 =	sand.u32 $0x380, s23  }
0x182: {  	s24 =	sadd.s32 s23, s5;
	[tilespmem:$0x10080] =	vst v6  }
0x183: {  	[hbm4b:s24+s1] =	stream.linear.scatter [tilespmem:s14], [sflag:$0x1], $0x80, $0x38;
	[tilespmem:$0x10300] =	vst v63  }
0x184: {  	_ =	swait.ge [sflag:s13], $0x80  }
0x185: {  	[sflag:s13] =	ssyncset.done $0x0  }
0x186: {  	[sflag:s13] =	ssyncadd.s32 $0xFFFFFF80  }
0x187: {  	s23 =	sadd.s32 s23, s6;
	[bflag:$0x0] =	sbarrier.arrive $0xFFFF  }
0x188: {  	[tilespmem:s16], [sflag:$0x1] =	stream.linear.gather [hbm4b:s23+s1], $0x200, $0x38;
	[tilespmem:$0x10300] =	vst v63  }
0x189: {  	_ =	swait.ge [sflag:s13], $0x200  }
0x18a: {  	[sflag:s13] =	ssyncset.done $0x0  }
0x18b: {  	[sflag:s13] =	ssyncadd.s32 $0xFFFFFE00  }
0x18c: {  	v6 =	vld [tilespmem:$0x10100]  }
0x18d: {  	v7 =	vld [tilespmem:$0x10180]  }
0x18e: {  	v8 =	vld [tilespmem:$0x10200]  }
0x18f: {  	v9 =	vld [tilespmem:$0x10280];
	_ =	sdelay $0x1  }
0x190: {  	p2 =	sne.s32 s22, $0xF  }
.Ltmp15:
0x191: {  	v6 =	vadd.s32 v6, v7;
	(pc) =	sbr.rel @!p2 .LBB2_25-.Ltmp15, $4  }
0x192: {  	v6 =	vadd.s32 v8, v6  }
0x193: {  	v6 =	vadd.s32 v9, v6  }
0x194: {  	vm0 =	vgt.s32 v6, v4  }
0x195: {  	v3 =	vsel vm0, v3, v5  }
.LBB2_20:
.Ltmp16:
0x196: {  	(pc) =	sbr.rel @p1 .LBB2_24-.Ltmp16, $3  }
0x197: {  	_ =	sdelay $0x1  }
0x198: {  	s23 =	sshrl.u32 s17, s22  }
0x199: {  	v6 =	vimm.s32 $0x0;
	v5 =	vor.u32 s23, v3  }
0x19a: {  	v7 =	vld [tilespmem:s20+$0x0];
	p2 =	sne.s32 s21, $0x1  }
.Ltmp17:
0x19b: {  	_ = 	snop;
	(pc) =	sbr.rel @!p2 .LBB2_23-.Ltmp17, $2  }
0x19c: {  	_ =	sdelay $0x2  }
0x19d: {  	s23 =	sadd.s32 $0xFFFFFFFF, s21;
	s24 =	sadd.s32 $0x10, s20;
	vm0 =	vlt.s32 v7, v5  }
.LBB2_22:
0x19e: {  	v7 =	vld [tilespmem:s24+$0x0];
	p2 =	sne.s32 s23, $0x1;
	s23 =	sadd.s32 $0xFFFFFFFF, s23;
	v8 =	vsel vm0, $0x1, v0  }
.Ltmp18:
0x19f: {  	v6 =	vadd.s32 v8, v6;
	(pc) =	sbr.rel @p2 .LBB2_22-.Ltmp18, $2  }
0x1a0: {  	_ =	sdelay $0x2  }
0x1a1: {  	s24 =	sadd.s32 $0x10, s24;
	vm0 =	vlt.s32 v7, v5  }
.Ltmp19:
0x1a2: {  	_ = 	snop;
	(pc) =	sbr.rel .LBB2_23-.Ltmp19, $1  }
0x1a3: {  	_ =	sdelay $0x3  }
.LBB2_26:
0x1a4: {  	_ =	sfence.sel $0x180000  }
0x1a5: {  	[bflag:$0x0] =	sbarrier.arrive $0xFFFF  }
0x1a6: {  	p0 =	sne.s32 s2, $0x0;
	_ =	strace $0x90000047  }
0x1a7: {  	s0 =	sadd.s32 @!p0 $0x100000, s0;
	[bflag:$0x2] =	sbarrier.arrive $0xFFFF  }
0x1a8: {  	[sflag:s0] =	ssyncadd.tile.s32 @!p0 $0x1;
	_ =	shalt  }
.Lfunc_end2:
_tile_overlayer_lowered:
.L_overlay_start_2:
0x1a9: {  	(tag) =	ssettag $0x2  }
0x1aa: {  	s0 =	rddreg [dreg:$0x0];
	s2 =	stileid.u32  }
0x1ab: {  	s1 =	rddreg [dreg:$0x1];
	p0 =	sne.s32 s2, $0x0  }
0x1ac: {  	s3 =	rddreg [dreg:$0x2];
	[bflag:$0x3] =	sbarrier.arrive $0xFFFF;
	s2 =	simm.s32 @!p0 $0x1C01  }
0x1ad: {  	[timem:s3], [sflag:s2] =	dma.local @!p0 [hbm:s0], s1  }
0x1ae: {  	s0 =	simm.s32 @!p0 $0x1  }
0x1af: {  	_ =	swait.ge @!p0 [sflag:s0], s1  }
0x1b0: {  	s1 =	ssub.s32 @!p0 $0x0, s1;
	[sflag:s0] =	ssyncset.done @!p0 $0x0  }
0x1b1: {  	[sflag:s0] =	ssyncadd.s32 @!p0 s1  }
0x1b2: {  	[bflag:$0x3] =	sbarrier.arrive $0xFFFF  }
0x1b3: {  	_ =	shalt  }

</sc_bundles>
